<compile_context>
chip_gen: v7x
topology: tpu7x:2x2x1
jax: 0.10.2.dev20260603
libtpu: 0.0.44.dev20260713+nightly
codegen_flags: <defaults>
</compile_context>

<pallas_src>
import functools

import jax
import jax.numpy as jnp
from jax import lax
from jax.experimental import pallas as pl
from jax.experimental.pallas import tpu as pltpu
from jax.experimental.pallas import tpu_sc as plsc

_NC, _NS = 2, 16
_NW = _NC * _NS
_BT = 128
_OB = 8
_L = 16


def _embed_gather(idx4, table_t):
    nst, nbt, sst, _ = idx4.shape
    seq = nst * sst
    depth, vocab = table_t.shape
    ndt = depth // 8

    mesh = plsc.VectorSubcoreMesh(core_axis_name="c", subcore_axis_name="s")

    @functools.partial(
        pl.kernel,
        out_type=jax.ShapeDtypeStruct((seq, ndt, _NW, 8, _BT), jnp.float32),
        mesh=mesh,
        scratch_types=[
            pltpu.VMEM((nst, sst, _BT), jnp.int32),
            pltpu.VMEM((depth, vocab), jnp.float32),
            pltpu.VMEM((_OB, ndt, 8, _BT), jnp.float32),
            pltpu.SemaphoreType.DMA((_OB,)),
        ],
        compiler_params=pltpu.CompilerParams(use_tc_tiling_on_sc=False,
                                             needs_layout_passes=False),
    )
    def run(idx_hbm, table_hbm, out_hbm, idx_vt, table_v, out_b, osem):
        wid = lax.axis_index("s") * _NC + lax.axis_index("c")

        pltpu.sync_copy(table_hbm, table_v)
        pltpu.sync_copy(idx_hbm.at[:, wid], idx_vt)

        def fire_out(s, b):
            pltpu.async_copy(out_b.at[b], out_hbm.at[s, :, wid], osem.at[b])

        def wait_out(s, b):
            pltpu.make_async_copy(out_b.at[b], out_hbm.at[s, :, wid],
                                  osem.at[b]).wait()

        @pl.loop(0, seq)
        def _step(s):
            ob = lax.rem(s, _OB)

            @pl.when(s >= _OB)
            def _drain():
                wait_out(s - _OB, ob)

            st = lax.div(s, sst)
            ss = lax.rem(s, sst)
            idxv = [idx_vt[st, ss, pl.ds(g * _L, _L)]
                    for g in range(_BT // _L)]
            for d in range(depth):
                cols = jnp.full((_L,), d, jnp.int32)
                vals = [plsc.load_gather(table_v, [cols, idxv[g]])
                        for g in range(_BT // _L)]
                for g in range(_BT // _L):
                    out_b[ob, d // 8, d % 8, pl.ds(g * _L, _L)] = vals[g]

            fire_out(s, ob)

        @pl.loop(seq - _OB, seq)
        def _final(s):
            wait_out(s, lax.rem(s, _OB))

    return run(idx4, table_t)


def kernel(indices_tensor, table):
    batch, seq = indices_tensor.shape
    depth = table.shape[1]
    idx4 = (indices_tensor.astype(jnp.int32).T
            .reshape(seq // 8, 8, batch // _BT, _BT)
            .transpose(0, 2, 1, 3))
    out5 = _embed_gather(idx4, table.T)
    return out5.transpose(2, 4, 0, 1, 3).reshape(batch, seq, depth)

# --- scband reference (transcript-rebuilt; emitter-appended) ---
"""Pipeline reference for scband-word-embedder-17428977287612 (READ-ONLY COPY).

The authoritative reference and input builder live on the scoring server;
editing this copy changes nothing except your own understanding.
"""

import jax, jax.numpy as jnp
import numpy as np

VOCAB_TOTAL = 1002  # 1000 user tokens + PAD + UNK
EMBED_DIM = 16

def setup_inputs(seed: int = 0) -> dict:
    key = jax.random.key(seed)
    k1, k2 = jax.random.split(key)
    indices_tensor = jax.random.randint(k1, (4096, 200), 0, 1000, dtype=jnp.int64)
    # xavier_normal init for the embedding table: std = sqrt(2/(fan_in+fan_out))
    std = (2.0 / (VOCAB_TOTAL + EMBED_DIM)) ** 0.5
    table = jax.random.normal(k2, (VOCAB_TOTAL, EMBED_DIM), dtype=jnp.float32) * std
    return {"indices_tensor": indices_tensor, "table": table}

def reference(indices_tensor, table):
    # WordEmbedder.forward with zero_out=False: plain embedding lookup
    embeddings = jnp.take(table, indices_tensor, axis=0)
    return embeddings

if __name__ == "__main__":
    import jax
    _d = setup_inputs()
    print(jax.jit(kernel)(*tuple(_d.values())))

</pallas_src>

<mosaic_0001>
#map = affine_map<(d0, d1) -> (0, 0, 0, 0)>
#map1 = affine_map<(d0, d1) -> (0, 0)>
#map2 = affine_map<(d0, d1) -> (0, 0, 0, 0, 0)>
module attributes {stable_mosaic.version = 14 : i64} {
  func.func @run(%arg0: i32, %arg1: i32, %arg2: memref<25x32x8x128xi32, #tpu.memory_space<hbm>>, %arg3: memref<16x1002xf32, #tpu.memory_space<hbm>>, %arg4: memref<200x2x32x8x128xf32, #tpu.memory_space<hbm>>, %arg5: memref<25x8x128xi32, #tpu.memory_space<vmem>>, %arg6: memref<16x1002xf32, #tpu.memory_space<vmem>>, %arg7: memref<8x2x8x128xf32, #tpu.memory_space<vmem>>, %arg8: memref<8x!tpu.dma_semaphore, #tpu.memory_space<semaphore_mem>>) attributes {dimension_semantics = [#tpu.dimension_semantics<core_parallel>, #tpu.dimension_semantics<subcore_parallel>], iteration_bounds = array<i64: 2, 16>, scalar_prefetch = 0 : i64, scratch_operands = 4 : i64, tpu.core_type = #tpu.core_type<sc_vector_subcore>, window_params = [{transform_indices = #map}, {transform_indices = #map1}, {transform_indices = #map2}]} {
    %mul3A = arith.constant 2 : i32
    %mul3A_0 = arith.muli %arg1, %mul3A : i32
    %add3A = arith.addi %mul3A_0, %arg0 : i32
    "tpu.region"() ({
      %run_scoped3A = tpu.sem_alloc : memref<!tpu.dma_semaphore, #tpu.memory_space<semaphore_mem>>
      tpu.enqueue_dma source(%arg3 : memref<16x1002xf32, #tpu.memory_space<hbm>>) target(%arg6 : memref<16x1002xf32, #tpu.memory_space<vmem>>) target_semaphore(%run_scoped3A : memref<!tpu.dma_semaphore, #tpu.memory_space<semaphore_mem>>)
      tpu.wait_dma2 semaphore(%run_scoped3A : memref<!tpu.dma_semaphore, #tpu.memory_space<semaphore_mem>>) src(%arg3 : memref<16x1002xf32, #tpu.memory_space<hbm>>) dst(%arg6 : memref<16x1002xf32, #tpu.memory_space<vmem>>)
      tpu.yield
    }) : () -> ()
    "tpu.region"() ({
      %run_scoped3A = tpu.sem_alloc : memref<!tpu.dma_semaphore, #tpu.memory_space<semaphore_mem>>
      %dma_start3A = arith.constant 0 : i32
      %dma_start3A_10 = arith.constant 0 : i32
      %dma_start3A_11 = arith.constant 0 : i32
      %dma_start3A_12 = tpu.memref_slice %arg2[%dma_start3A, %add3A, %dma_start3A_10, %dma_start3A_11] : memref<25x32x8x128xi32, #tpu.memory_space<hbm>> -> memref<25x1x8x128xi32, #tpu.memory_space<hbm>>
      %dma_start3A_13 = tpu.memref_squeeze %dma_start3A_12 : memref<25x1x8x128xi32, #tpu.memory_space<hbm>> -> memref<25x8x128xi32, #tpu.memory_space<hbm>>
      %dma_start3A_14 = arith.constant 0 : i32
      %dma_start3A_15 = arith.constant 0 : i32
      %dma_start3A_16 = arith.constant 0 : i32
      %dma_start3A_17 = tpu.memref_slice %arg2[%dma_start3A_14, %add3A, %dma_start3A_15, %dma_start3A_16] : memref<25x32x8x128xi32, #tpu.memory_space<hbm>> -> memref<25x1x8x128xi32, #tpu.memory_space<hbm>>
      %dma_start3A_18 = tpu.memref_squeeze %dma_start3A_17 : memref<25x1x8x128xi32, #tpu.memory_space<hbm>> -> memref<25x8x128xi32, #tpu.memory_space<hbm>>
      tpu.enqueue_dma source(%dma_start3A_18 : memref<25x8x128xi32, #tpu.memory_space<hbm>>) target(%arg5 : memref<25x8x128xi32, #tpu.memory_space<vmem>>) target_semaphore(%run_scoped3A : memref<!tpu.dma_semaphore, #tpu.memory_space<semaphore_mem>>)
      %dma_wait3A = arith.constant 0 : i32
      %dma_wait3A_19 = arith.constant 0 : i32
      %dma_wait3A_20 = arith.constant 0 : i32
      %dma_wait3A_21 = tpu.memref_slice %arg2[%dma_wait3A, %add3A, %dma_wait3A_19, %dma_wait3A_20] : memref<25x32x8x128xi32, #tpu.memory_space<hbm>> -> memref<25x1x8x128xi32, #tpu.memory_space<hbm>>
      %dma_wait3A_22 = tpu.memref_squeeze %dma_wait3A_21 : memref<25x1x8x128xi32, #tpu.memory_space<hbm>> -> memref<25x8x128xi32, #tpu.memory_space<hbm>>
      %dma_wait3A_23 = arith.constant 0 : i32
      %dma_wait3A_24 = arith.constant 0 : i32
      %dma_wait3A_25 = arith.constant 0 : i32
      %dma_wait3A_26 = tpu.memref_slice %arg2[%dma_wait3A_23, %add3A, %dma_wait3A_24, %dma_wait3A_25] : memref<25x32x8x128xi32, #tpu.memory_space<hbm>> -> memref<25x1x8x128xi32, #tpu.memory_space<hbm>>
      %dma_wait3A_27 = tpu.memref_squeeze %dma_wait3A_26 : memref<25x1x8x128xi32, #tpu.memory_space<hbm>> -> memref<25x8x128xi32, #tpu.memory_space<hbm>>
      tpu.wait_dma2 semaphore(%run_scoped3A : memref<!tpu.dma_semaphore, #tpu.memory_space<semaphore_mem>>) src(%dma_wait3A_27 : memref<25x8x128xi32, #tpu.memory_space<hbm>>) dst(%arg5 : memref<25x8x128xi32, #tpu.memory_space<vmem>>)
      tpu.yield
    }) : () -> ()
    %scan3A = arith.constant 0 : i32
    %scan3A_1 = arith.constant 200 : i32
    %scan3A_2 = arith.addi %scan3A, %scan3A_1 : i32
    %scan3A_3 = arith.constant 1 : i32
    scf.for %scan3A_10 = %scan3A to %scan3A_2 step %scan3A_3  : i32 {
      %mul3A_11 = arith.constant 1 : i32
      %mul3A_12 = arith.muli %scan3A_10, %mul3A_11 : i32
      %add3A_13 = arith.constant 0 : i32
      %add3A_14 = arith.addi %add3A_13, %mul3A_12 : i32
      %rem3A = arith.constant 8 : i32
      %rem3A_15 = arith.remsi %add3A_14, %rem3A : i32
      %ge3A = arith.constant 8 : i32
      %ge3A_16 = arith.cmpi sge, %add3A_14, %ge3A : i32
      %convert_element_type3A = arith.extui %ge3A_16 : i1 to i32
      %cond3A = arith.constant 0 : i32
      %cond3A_17 = arith.cmpi ne, %convert_element_type3A, %cond3A : i32
      scf.if %cond3A_17 {
        %sub3A = arith.constant 8 : i32
        %sub3A_1126 = arith.subi %add3A_14, %sub3A : i32
        %dma_wait3A = arith.constant 0 : i32
        %dma_wait3A_1127 = arith.constant 0 : i32
        %dma_wait3A_1128 = arith.constant 0 : i32
        %dma_wait3A_1129 = tpu.memref_slice %arg7[%rem3A_15, %dma_wait3A, %dma_wait3A_1127, %dma_wait3A_1128] : memref<8x2x8x128xf32, #tpu.memory_space<vmem>> -> memref<1x2x8x128xf32, #tpu.memory_space<vmem>>
        %dma_wait3A_1130 = tpu.memref_squeeze %dma_wait3A_1129 : memref<1x2x8x128xf32, #tpu.memory_space<vmem>> -> memref<2x8x128xf32, #tpu.memory_space<vmem>>
        %dma_wait3A_1131 = arith.constant 0 : i32
        %dma_wait3A_1132 = arith.constant 0 : i32
        %dma_wait3A_1133 = arith.constant 0 : i32
        %dma_wait3A_1134 = tpu.memref_slice %arg4[%sub3A_1126, %dma_wait3A_1131, %add3A, %dma_wait3A_1132, %dma_wait3A_1133] : memref<200x2x32x8x128xf32, #tpu.memory_space<hbm>> -> memref<1x2x1x8x128xf32, #tpu.memory_space<hbm>>
        %dma_wait3A_1135 = tpu.memref_squeeze %dma_wait3A_1134 : memref<1x2x1x8x128xf32, #tpu.memory_space<hbm>> -> memref<2x8x128xf32, #tpu.memory_space<hbm>>
        %dma_wait3A_1136 = tpu.memref_slice %arg8[%rem3A_15] : memref<8x!tpu.dma_semaphore, #tpu.memory_space<semaphore_mem>> -> memref<1x!tpu.dma_semaphore, #tpu.memory_space<semaphore_mem>>
        %dma_wait3A_1137 = tpu.memref_squeeze %dma_wait3A_1136 : memref<1x!tpu.dma_semaphore, #tpu.memory_space<semaphore_mem>> -> memref<!tpu.dma_semaphore, #tpu.memory_space<semaphore_mem>>
        %dma_wait3A_1138 = arith.constant 0 : i32
        %dma_wait3A_1139 = arith.constant 0 : i32
        %dma_wait3A_1140 = arith.constant 0 : i32
        %dma_wait3A_1141 = tpu.memref_slice %arg4[%sub3A_1126, %dma_wait3A_1138, %add3A, %dma_wait3A_1139, %dma_wait3A_1140] : memref<200x2x32x8x128xf32, #tpu.memory_space<hbm>> -> memref<1x2x1x8x128xf32, #tpu.memory_space<hbm>>
        %dma_wait3A_1142 = tpu.memref_squeeze %dma_wait3A_1141 : memref<1x2x1x8x128xf32, #tpu.memory_space<hbm>> -> memref<2x8x128xf32, #tpu.memory_space<hbm>>
        %dma_wait3A_1143 = arith.constant 0 : i32
        %dma_wait3A_1144 = arith.constant 0 : i32
        %dma_wait3A_1145 = arith.constant 0 : i32
        %dma_wait3A_1146 = tpu.memref_slice %arg7[%rem3A_15, %dma_wait3A_1143, %dma_wait3A_1144, %dma_wait3A_1145] : memref<8x2x8x128xf32, #tpu.memory_space<vmem>> -> memref<1x2x8x128xf32, #tpu.memory_space<vmem>>
        %dma_wait3A_1147 = tpu.memref_squeeze %dma_wait3A_1146 : memref<1x2x8x128xf32, #tpu.memory_space<vmem>> -> memref<2x8x128xf32, #tpu.memory_space<vmem>>
        tpu.wait_dma2 semaphore(%dma_wait3A_1137 : memref<!tpu.dma_semaphore, #tpu.memory_space<semaphore_mem>>) src(%dma_wait3A_1147 : memref<2x8x128xf32, #tpu.memory_space<vmem>>) dst(%dma_wait3A_1142 : memref<2x8x128xf32, #tpu.memory_space<hbm>>)
      } else {
      }
      %div3A = arith.constant 8 : i32
      %div3A_18 = arith.divsi %add3A_14, %div3A : i32
      %rem3A_19 = arith.constant 8 : i32
      %rem3A_20 = arith.remsi %add3A_14, %rem3A_19 : i32
      %get3A = arith.index_cast %div3A_18 : i32 to index
      %get3A_21 = arith.index_cast %rem3A_20 : i32 to index
      %get3A_22 = arith.constant 0 : index
      %get3A_23 = tpu.vector_load %arg5[%get3A, %get3A_21, %get3A_22] {strides = array<i32>} : memref<25x8x128xi32, #tpu.memory_space<vmem>>, vector<16xi32>,
      %get3A_24 = arith.index_cast %div3A_18 : i32 to index
      %get3A_25 = arith.index_cast %rem3A_20 : i32 to index
      %get3A_26 = arith.constant 16 : index
      %get3A_27 = tpu.vector_load %arg5[%get3A_24, %get3A_25, %get3A_26] {strides = array<i32>} : memref<25x8x128xi32, #tpu.memory_space<vmem>>, vector<16xi32>,
      %get3A_28 = arith.index_cast %div3A_18 : i32 to index
      %get3A_29 = arith.index_cast %rem3A_20 : i32 to index
      %get3A_30 = arith.constant 32 : index
      %get3A_31 = tpu.vector_load %arg5[%get3A_28, %get3A_29, %get3A_30] {strides = array<i32>} : memref<25x8x128xi32, #tpu.memory_space<vmem>>, vector<16xi32>,
      %get3A_32 = arith.index_cast %div3A_18 : i32 to index
      %get3A_33 = arith.index_cast %rem3A_20 : i32 to index
      %get3A_34 = arith.constant 48 : index
      %get3A_35 = tpu.vector_load %arg5[%get3A_32, %get3A_33, %get3A_34] {strides = array<i32>} : memref<25x8x128xi32, #tpu.memory_space<vmem>>, vector<16xi32>,
      %get3A_36 = arith.index_cast %div3A_18 : i32 to index
      %get3A_37 = arith.index_cast %rem3A_20 : i32 to index
      %get3A_38 = arith.constant 64 : index
      %get3A_39 = tpu.vector_load %arg5[%get3A_36, %get3A_37, %get3A_38] {strides = array<i32>} : memref<25x8x128xi32, #tpu.memory_space<vmem>>, vector<16xi32>,
      %get3A_40 = arith.index_cast %div3A_18 : i32 to index
      %get3A_41 = arith.index_cast %rem3A_20 : i32 to index
      %get3A_42 = arith.constant 80 : index
      %get3A_43 = tpu.vector_load %arg5[%get3A_40, %get3A_41, %get3A_42] {strides = array<i32>} : memref<25x8x128xi32, #tpu.memory_space<vmem>>, vector<16xi32>,
      %get3A_44 = arith.index_cast %div3A_18 : i32 to index
      %get3A_45 = arith.index_cast %rem3A_20 : i32 to index
      %get3A_46 = arith.constant 96 : index
      %get3A_47 = tpu.vector_load %arg5[%get3A_44, %get3A_45, %get3A_46] {strides = array<i32>} : memref<25x8x128xi32, #tpu.memory_space<vmem>>, vector<16xi32>,
      %get3A_48 = arith.index_cast %div3A_18 : i32 to index
      %get3A_49 = arith.index_cast %rem3A_20 : i32 to index
      %get3A_50 = arith.constant 112 : index
      %get3A_51 = tpu.vector_load %arg5[%get3A_48, %get3A_49, %get3A_50] {strides = array<i32>} : memref<25x8x128xi32, #tpu.memory_space<vmem>>, vector<16xi32>,
      %broadcast_in_dim3A = arith.constant 0 : i32
      %broadcast_in_dim3A_52 = vector.broadcast %broadcast_in_dim3A : i32 to vector<16xi32>
      %gather3A = tpu.vector_load_idx %arg6[%broadcast_in_dim3A_52, %get3A_23] : memref<16x1002xf32, #tpu.memory_space<vmem>>[vector<16xi32>, vector<16xi32>], vector<16xf32>,
      %gather3A_53 = tpu.vector_load_idx %arg6[%broadcast_in_dim3A_52, %get3A_27] : memref<16x1002xf32, #tpu.memory_space<vmem>>[vector<16xi32>, vector<16xi32>], vector<16xf32>,
      %gather3A_54 = tpu.vector_load_idx %arg6[%broadcast_in_dim3A_52, %get3A_31] : memref<16x1002xf32, #tpu.memory_space<vmem>>[vector<16xi32>, vector<16xi32>], vector<16xf32>,
      %gather3A_55 = tpu.vector_load_idx %arg6[%broadcast_in_dim3A_52, %get3A_35] : memref<16x1002xf32, #tpu.memory_space<vmem>>[vector<16xi32>, vector<16xi32>], vector<16xf32>,
      %gather3A_56 = tpu.vector_load_idx %arg6[%broadcast_in_dim3A_52, %get3A_39] : memref<16x1002xf32, #tpu.memory_space<vmem>>[vector<16xi32>, vector<16xi32>], vector<16xf32>,
      %gather3A_57 = tpu.vector_load_idx %arg6[%broadcast_in_dim3A_52, %get3A_43] : memref<16x1002xf32, #tpu.memory_space<vmem>>[vector<16xi32>, vector<16xi32>], vector<16xf32>,
      %gather3A_58 = tpu.vector_load_idx %arg6[%broadcast_in_dim3A_52, %get3A_47] : memref<16x1002xf32, #tpu.memory_space<vmem>>[vector<16xi32>, vector<16xi32>], vector<16xf32>,
      %gather3A_59 = tpu.vector_load_idx %arg6[%broadcast_in_dim3A_52, %get3A_51] : memref<16x1002xf32, #tpu.memory_space<vmem>>[vector<16xi32>, vector<16xi32>], vector<16xf32>,
      %swap3A = arith.constant 0 : i32
      %swap3A_60 = arith.constant 0 : i32
      %swap3A_61 = arith.index_cast %rem3A_15 : i32 to index
      %swap3A_62 = arith.index_cast %swap3A : i32 to index
      %swap3A_63 = arith.index_cast %swap3A_60 : i32 to index
      %swap3A_64 = arith.constant 0 : index
      %swap3A_65 = tpu.vector_load %arg7[%swap3A_61, %swap3A_62, %swap3A_63, %swap3A_64] {strides = array<i32>} : memref<8x2x8x128xf32, #tpu.memory_space<vmem>>, vector<16xf32>,
      tpu.vector_store %arg7[%swap3A_61, %swap3A_62, %swap3A_63, %swap3A_64], %gather3A {strides = array<i32>} : memref<8x2x8x128xf32, #tpu.memory_space<vmem>>, vector<16xf32>,
      %swap3A_66 = arith.constant 0 : i32
      %swap3A_67 = arith.constant 0 : i32
      %swap3A_68 = arith.index_cast %rem3A_15 : i32 to index
      %swap3A_69 = arith.index_cast %swap3A_66 : i32 to index
      %swap3A_70 = arith.index_cast %swap3A_67 : i32 to index
      %swap3A_71 = arith.constant 16 : index
      %swap3A_72 = tpu.vector_load %arg7[%swap3A_68, %swap3A_69, %swap3A_70, %swap3A_71] {strides = array<i32>} : memref<8x2x8x128xf32, #tpu.memory_space<vmem>>, vector<16xf32>,
      tpu.vector_store %arg7[%swap3A_68, %swap3A_69, %swap3A_70, %swap3A_71], %gather3A_53 {strides = array<i32>} : memref<8x2x8x128xf32, #tpu.memory_space<vmem>>, vector<16xf32>,
      %swap3A_73 = arith.constant 0 : i32
      %swap3A_74 = arith.constant 0 : i32
      %swap3A_75 = arith.index_cast %rem3A_15 : i32 to index
      %swap3A_76 = arith.index_cast %swap3A_73 : i32 to index
      %swap3A_77 = arith.index_cast %swap3A_74 : i32 to index
      %swap3A_78 = arith.constant 32 : index
      %swap3A_79 = tpu.vector_load %arg7[%swap3A_75, %swap3A_76, %swap3A_77, %swap3A_78] {strides = array<i32>} : memref<8x2x8x128xf32, #tpu.memory_space<vmem>>, vector<16xf32>,
      tpu.vector_store %arg7[%swap3A_75, %swap3A_76, %swap3A_77, %swap3A_78], %gather3A_54 {strides = array<i32>} : memref<8x2x8x128xf32, #tpu.memory_space<vmem>>, vector<16xf32>,
      %swap3A_80 = arith.constant 0 : i32
      %swap3A_81 = arith.constant 0 : i32
      %swap3A_82 = arith.index_cast %rem3A_15 : i32 to index
      %swap3A_83 = arith.index_cast %swap3A_80 : i32 to index
      %swap3A_84 = arith.index_cast %swap3A_81 : i32 to index
      %swap3A_85 = arith.constant 48 : index
      %swap3A_86 = tpu.vector_load %arg7[%swap3A_82, %swap3A_83, %swap3A_84, %swap3A_85] {strides = array<i32>} : memref<8x2x8x128xf32, #tpu.memory_space<vmem>>, vector<16xf32>,
      tpu.vector_store %arg7[%swap3A_82, %swap3A_83, %swap3A_84, %swap3A_85], %gather3A_55 {strides = array<i32>} : memref<8x2x8x128xf32, #tpu.memory_space<vmem>>, vector<16xf32>,
      %swap3A_87 = arith.constant 0 : i32
      %swap3A_88 = arith.constant 0 : i32
      %swap3A_89 = arith.index_cast %rem3A_15 : i32 to index
      %swap3A_90 = arith.index_cast %swap3A_87 : i32 to index
      %swap3A_91 = arith.index_cast %swap3A_88 : i32 to index
      %swap3A_92 = arith.constant 64 : index
      %swap3A_93 = tpu.vector_load %arg7[%swap3A_89, %swap3A_90, %swap3A_91, %swap3A_92] {strides = array<i32>} : memref<8x2x8x128xf32, #tpu.memory_space<vmem>>, vector<16xf32>,
      tpu.vector_store %arg7[%swap3A_89, %swap3A_90, %swap3A_91, %swap3A_92], %gather3A_56 {strides = array<i32>} : memref<8x2x8x128xf32, #tpu.memory_space<vmem>>, vector<16xf32>,
      %swap3A_94 = arith.constant 0 : i32
      %swap3A_95 = arith.constant 0 : i32
      %swap3A_96 = arith.index_cast %rem3A_15 : i32 to index
      %swap3A_97 = arith.index_cast %swap3A_94 : i32 to index
      %swap3A_98 = arith.index_cast %swap3A_95 : i32 to index
      %swap3A_99 = arith.constant 80 : index
      %swap3A_100 = tpu.vector_load %arg7[%swap3A_96, %swap3A_97, %swap3A_98, %swap3A_99] {strides = array<i32>} : memref<8x2x8x128xf32, #tpu.memory_space<vmem>>, vector<16xf32>,
      tpu.vector_store %arg7[%swap3A_96, %swap3A_97, %swap3A_98, %swap3A_99], %gather3A_57 {strides = array<i32>} : memref<8x2x8x128xf32, #tpu.memory_space<vmem>>, vector<16xf32>,
      %swap3A_101 = arith.constant 0 : i32
      %swap3A_102 = arith.constant 0 : i32
      %swap3A_103 = arith.index_cast %rem3A_15 : i32 to index
      %swap3A_104 = arith.index_cast %swap3A_101 : i32 to index
      %swap3A_105 = arith.index_cast %swap3A_102 : i32 to index
      %swap3A_106 = arith.constant 96 : index
      %swap3A_107 = tpu.vector_load %arg7[%swap3A_103, %swap3A_104, %swap3A_105, %swap3A_106] {strides = array<i32>} : memref<8x2x8x128xf32, #tpu.memory_space<vmem>>, vector<16xf32>,
      tpu.vector_store %arg7[%swap3A_103, %swap3A_104, %swap3A_105, %swap3A_106], %gather3A_58 {strides = array<i32>} : memref<8x2x8x128xf32, #tpu.memory_space<vmem>>, vector<16xf32>,
      %swap3A_108 = arith.constant 0 : i32
      %swap3A_109 = arith.constant 0 : i32
      %swap3A_110 = arith.index_cast %rem3A_15 : i32 to index
      %swap3A_111 = arith.index_cast %swap3A_108 : i32 to index
      %swap3A_112 = arith.index_cast %swap3A_109 : i32 to index
      %swap3A_113 = arith.constant 112 : index
      %swap3A_114 = tpu.vector_load %arg7[%swap3A_110, %swap3A_111, %swap3A_112, %swap3A_113] {strides = array<i32>} : memref<8x2x8x128xf32, #tpu.memory_space<vmem>>, vector<16xf32>,
      tpu.vector_store %arg7[%swap3A_110, %swap3A_111, %swap3A_112, %swap3A_113], %gather3A_59 {strides = array<i32>} : memref<8x2x8x128xf32, #tpu.memory_space<vmem>>, vector<16xf32>,
      %broadcast_in_dim3A_115 = arith.constant 1 : i32
      %broadcast_in_dim3A_116 = vector.broadcast %broadcast_in_dim3A_115 : i32 to vector<16xi32>
      %gather3A_117 = tpu.vector_load_idx %arg6[%broadcast_in_dim3A_116, %get3A_23] : memref<16x1002xf32, #tpu.memory_space<vmem>>[vector<16xi32>, vector<16xi32>], vector<16xf32>,
      %gather3A_118 = tpu.vector_load_idx %arg6[%broadcast_in_dim3A_116, %get3A_27] : memref<16x1002xf32, #tpu.memory_space<vmem>>[vector<16xi32>, vector<16xi32>], vector<16xf32>,
      %gather3A_119 = tpu.vector_load_idx %arg6[%broadcast_in_dim3A_116, %get3A_31] : memref<16x1002xf32, #tpu.memory_space<vmem>>[vector<16xi32>, vector<16xi32>], vector<16xf32>,
      %gather3A_120 = tpu.vector_load_idx %arg6[%broadcast_in_dim3A_116, %get3A_35] : memref<16x1002xf32, #tpu.memory_space<vmem>>[vector<16xi32>, vector<16xi32>], vector<16xf32>,
      %gather3A_121 = tpu.vector_load_idx %arg6[%broadcast_in_dim3A_116, %get3A_39] : memref<16x1002xf32, #tpu.memory_space<vmem>>[vector<16xi32>, vector<16xi32>], vector<16xf32>,
      %gather3A_122 = tpu.vector_load_idx %arg6[%broadcast_in_dim3A_116, %get3A_43] : memref<16x1002xf32, #tpu.memory_space<vmem>>[vector<16xi32>, vector<16xi32>], vector<16xf32>,
      %gather3A_123 = tpu.vector_load_idx %arg6[%broadcast_in_dim3A_116, %get3A_47] : memref<16x1002xf32, #tpu.memory_space<vmem>>[vector<16xi32>, vector<16xi32>], vector<16xf32>,
      %gather3A_124 = tpu.vector_load_idx %arg6[%broadcast_in_dim3A_116, %get3A_51] : memref<16x1002xf32, #tpu.memory_space<vmem>>[vector<16xi32>, vector<16xi32>], vector<16xf32>,
      %swap3A_125 = arith.constant 0 : i32
      %swap3A_126 = arith.constant 1 : i32
      %swap3A_127 = arith.index_cast %rem3A_15 : i32 to index
      %swap3A_128 = arith.index_cast %swap3A_125 : i32 to index
      %swap3A_129 = arith.index_cast %swap3A_126 : i32 to index
      %swap3A_130 = arith.constant 0 : index
      %swap3A_131 = tpu.vector_load %arg7[%swap3A_127, %swap3A_128, %swap3A_129, %swap3A_130] {strides = array<i32>} : memref<8x2x8x128xf32, #tpu.memory_space<vmem>>, vector<16xf32>,
      tpu.vector_store %arg7[%swap3A_127, %swap3A_128, %swap3A_129, %swap3A_130], %gather3A_117 {strides = array<i32>} : memref<8x2x8x128xf32, #tpu.memory_space<vmem>>, vector<16xf32>,
      %swap3A_132 = arith.constant 0 : i32
      %swap3A_133 = arith.constant 1 : i32
      %swap3A_134 = arith.index_cast %rem3A_15 : i32 to index
      %swap3A_135 = arith.index_cast %swap3A_132 : i32 to index
      %swap3A_136 = arith.index_cast %swap3A_133 : i32 to index
      %swap3A_137 = arith.constant 16 : index
      %swap3A_138 = tpu.vector_load %arg7[%swap3A_134, %swap3A_135, %swap3A_136, %swap3A_137] {strides = array<i32>} : memref<8x2x8x128xf32, #tpu.memory_space<vmem>>, vector<16xf32>,
      tpu.vector_store %arg7[%swap3A_134, %swap3A_135, %swap3A_136, %swap3A_137], %gather3A_118 {strides = array<i32>} : memref<8x2x8x128xf32, #tpu.memory_space<vmem>>, vector<16xf32>,
      %swap3A_139 = arith.constant 0 : i32
      %swap3A_140 = arith.constant 1 : i32
      %swap3A_141 = arith.index_cast %rem3A_15 : i32 to index
      %swap3A_142 = arith.index_cast %swap3A_139 : i32 to index
      %swap3A_143 = arith.index_cast %swap3A_140 : i32 to index
      %swap3A_144 = arith.constant 32 : index
      %swap3A_145 = tpu.vector_load %arg7[%swap3A_141, %swap3A_142, %swap3A_143, %swap3A_144] {strides = array<i32>} : memref<8x2x8x128xf32, #tpu.memory_space<vmem>>, vector<16xf32>,
      tpu.vector_store %arg7[%swap3A_141, %swap3A_142, %swap3A_143, %swap3A_144], %gather3A_119 {strides = array<i32>} : memref<8x2x8x128xf32, #tpu.memory_space<vmem>>, vector<16xf32>,
      %swap3A_146 = arith.constant 0 : i32
      %swap3A_147 = arith.constant 1 : i32
      %swap3A_148 = arith.index_cast %rem3A_15 : i32 to index
      %swap3A_149 = arith.index_cast %swap3A_146 : i32 to index
      %swap3A_150 = arith.index_cast %swap3A_147 : i32 to index
      %swap3A_151 = arith.constant 48 : index
      %swap3A_152 = tpu.vector_load %arg7[%swap3A_148, %swap3A_149, %swap3A_150, %swap3A_151] {strides = array<i32>} : memref<8x2x8x128xf32, #tpu.memory_space<vmem>>, vector<16xf32>,
      tpu.vector_store %arg7[%swap3A_148, %swap3A_149, %swap3A_150, %swap3A_151], %gather3A_120 {strides = array<i32>} : memref<8x2x8x128xf32, #tpu.memory_space<vmem>>, vector<16xf32>,
      %swap3A_153 = arith.constant 0 : i32
      %swap3A_154 = arith.constant 1 : i32
      %swap3A_155 = arith.index_cast %rem3A_15 : i32 to index
      %swap3A_156 = arith.index_cast %swap3A_153 : i32 to index
      %swap3A_157 = arith.index_cast %swap3A_154 : i32 to index
      %swap3A_158 = arith.constant 64 : index
      %swap3A_159 = tpu.vector_load %arg7[%swap3A_155, %swap3A_156, %swap3A_157, %swap3A_158] {strides = array<i32>} : memref<8x2x8x128xf32, #tpu.memory_space<vmem>>, vector<16xf32>,
      tpu.vector_store %arg7[%swap3A_155, %swap3A_156, %swap3A_157, %swap3A_158], %gather3A_121 {strides = array<i32>} : memref<8x2x8x128xf32, #tpu.memory_space<vmem>>, vector<16xf32>,
      %swap3A_160 = arith.constant 0 : i32
      %swap3A_161 = arith.constant 1 : i32
      %swap3A_162 = arith.index_cast %rem3A_15 : i32 to index
      %swap3A_163 = arith.index_cast %swap3A_160 : i32 to index
      %swap3A_164 = arith.index_cast %swap3A_161 : i32 to index
      %swap3A_165 = arith.constant 80 : index
      %swap3A_166 = tpu.vector_load %arg7[%swap3A_162, %swap3A_163, %swap3A_164, %swap3A_165] {strides = array<i32>} : memref<8x2x8x128xf32, #tpu.memory_space<vmem>>, vector<16xf32>,
      tpu.vector_store %arg7[%swap3A_162, %swap3A_163, %swap3A_164, %swap3A_165], %gather3A_122 {strides = array<i32>} : memref<8x2x8x128xf32, #tpu.memory_space<vmem>>, vector<16xf32>,
      %swap3A_167 = arith.constant 0 : i32
      %swap3A_168 = arith.constant 1 : i32
      %swap3A_169 = arith.index_cast %rem3A_15 : i32 to index
      %swap3A_170 = arith.index_cast %swap3A_167 : i32 to index
      %swap3A_171 = arith.index_cast %swap3A_168 : i32 to index
      %swap3A_172 = arith.constant 96 : index
      %swap3A_173 = tpu.vector_load %arg7[%swap3A_169, %swap3A_170, %swap3A_171, %swap3A_172] {strides = array<i32>} : memref<8x2x8x128xf32, #tpu.memory_space<vmem>>, vector<16xf32>,
      tpu.vector_store %arg7[%swap3A_169, %swap3A_170, %swap3A_171, %swap3A_172], %gather3A_123 {strides = array<i32>} : memref<8x2x8x128xf32, #tpu.memory_space<vmem>>, vector<16xf32>,
      %swap3A_174 = arith.constant 0 : i32
      %swap3A_175 = arith.constant 1 : i32
      %swap3A_176 = arith.index_cast %rem3A_15 : i32 to index
      %swap3A_177 = arith.index_cast %swap3A_174 : i32 to index
      %swap3A_178 = arith.index_cast %swap3A_175 : i32 to index
      %swap3A_179 = arith.constant 112 : index
      %swap3A_180 = tpu.vector_load %arg7[%swap3A_176, %swap3A_177, %swap3A_178, %swap3A_179] {strides = array<i32>} : memref<8x2x8x128xf32, #tpu.memory_space<vmem>>, vector<16xf32>,
      tpu.vector_store %arg7[%swap3A_176, %swap3A_177, %swap3A_178, %swap3A_179], %gather3A_124 {strides = array<i32>} : memref<8x2x8x128xf32, #tpu.memory_space<vmem>>, vector<16xf32>,
      %broadcast_in_dim3A_181 = arith.constant 2 : i32
      %broadcast_in_dim3A_182 = vector.broadcast %broadcast_in_dim3A_181 : i32 to vector<16xi32>
      %gather3A_183 = tpu.vector_load_idx %arg6[%broadcast_in_dim3A_182, %get3A_23] : memref<16x1002xf32, #tpu.memory_space<vmem>>[vector<16xi32>, vector<16xi32>], vector<16xf32>,
      %gather3A_184 = tpu.vector_load_idx %arg6[%broadcast_in_dim3A_182, %get3A_27] : memref<16x1002xf32, #tpu.memory_space<vmem>>[vector<16xi32>, vector<16xi32>], vector<16xf32>,
      %gather3A_185 = tpu.vector_load_idx %arg6[%broadcast_in_dim3A_182, %get3A_31] : memref<16x1002xf32, #tpu.memory_space<vmem>>[vector<16xi32>, vector<16xi32>], vector<16xf32>,
      %gather3A_186 = tpu.vector_load_idx %arg6[%broadcast_in_dim3A_182, %get3A_35] : memref<16x1002xf32, #tpu.memory_space<vmem>>[vector<16xi32>, vector<16xi32>], vector<16xf32>,
      %gather3A_187 = tpu.vector_load_idx %arg6[%broadcast_in_dim3A_182, %get3A_39] : memref<16x1002xf32, #tpu.memory_space<vmem>>[vector<16xi32>, vector<16xi32>], vector<16xf32>,
      %gather3A_188 = tpu.vector_load_idx %arg6[%broadcast_in_dim3A_182, %get3A_43] : memref<16x1002xf32, #tpu.memory_space<vmem>>[vector<16xi32>, vector<16xi32>], vector<16xf32>,
      %gather3A_189 = tpu.vector_load_idx %arg6[%broadcast_in_dim3A_182, %get3A_47] : memref<16x1002xf32, #tpu.memory_space<vmem>>[vector<16xi32>, vector<16xi32>], vector<16xf32>,
      %gather3A_190 = tpu.vector_load_idx %arg6[%broadcast_in_dim3A_182, %get3A_51] : memref<16x1002xf32, #tpu.memory_space<vmem>>[vector<16xi32>, vector<16xi32>], vector<16xf32>,
      %swap3A_191 = arith.constant 0 : i32
      %swap3A_192 = arith.constant 2 : i32
      %swap3A_193 = arith.index_cast %rem3A_15 : i32 to index
      %swap3A_194 = arith.index_cast %swap3A_191 : i32 to index
      %swap3A_195 = arith.index_cast %swap3A_192 : i32 to index
      %swap3A_196 = arith.constant 0 : index
      %swap3A_197 = tpu.vector_load %arg7[%swap3A_193, %swap3A_194, %swap3A_195, %swap3A_196] {strides = array<i32>} : memref<8x2x8x128xf32, #tpu.memory_space<vmem>>, vector<16xf32>,
      tpu.vector_store %arg7[%swap3A_193, %swap3A_194, %swap3A_195, %swap3A_196], %gather3A_183 {strides = array<i32>} : memref<8x2x8x128xf32, #tpu.memory_space<vmem>>, vector<16xf32>,
      %swap3A_198 = arith.constant 0 : i32
      %swap3A_199 = arith.constant 2 : i32
      %swap3A_200 = arith.index_cast %rem3A_15 : i32 to index
      %swap3A_201 = arith.index_cast %swap3A_198 : i32 to index
      %swap3A_202 = arith.index_cast %swap3A_199 : i32 to index
      %swap3A_203 = arith.constant 16 : index
      %swap3A_204 = tpu.vector_load %arg7[%swap3A_200, %swap3A_201, %swap3A_202, %swap3A_203] {strides = array<i32>} : memref<8x2x8x128xf32, #tpu.memory_space<vmem>>, vector<16xf32>,
      tpu.vector_store %arg7[%swap3A_200, %swap3A_201, %swap3A_202, %swap3A_203], %gather3A_184 {strides = array<i32>} : memref<8x2x8x128xf32, #tpu.memory_space<vmem>>, vector<16xf32>,
      %swap3A_205 = arith.constant 0 : i32
      %swap3A_206 = arith.constant 2 : i32
      %swap3A_207 = arith.index_cast %rem3A_15 : i32 to index
      %swap3A_208 = arith.index_cast %swap3A_205 : i32 to index
      %swap3A_209 = arith.index_cast %swap3A_206 : i32 to index
      %swap3A_210 = arith.constant 32 : index
      %swap3A_211 = tpu.vector_load %arg7[%swap3A_207, %swap3A_208, %swap3A_209, %swap3A_210] {strides = array<i32>} : memref<8x2x8x128xf32, #tpu.memory_space<vmem>>, vector<16xf32>,
      tpu.vector_store %arg7[%swap3A_207, %swap3A_208, %swap3A_209, %swap3A_210], %gather3A_185 {strides = array<i32>} : memref<8x2x8x128xf32, #tpu.memory_space<vmem>>, vector<16xf32>,
      %swap3A_212 = arith.constant 0 : i32
      %swap3A_213 = arith.constant 2 : i32
      %swap3A_214 = arith.index_cast %rem3A_15 : i32 to index
      %swap3A_215 = arith.index_cast %swap3A_212 : i32 to index
      %swap3A_216 = arith.index_cast %swap3A_213 : i32 to index
      %swap3A_217 = arith.constant 48 : index
      %swap3A_218 = tpu.vector_load %arg7[%swap3A_214, %swap3A_215, %swap3A_216, %swap3A_217] {strides = array<i32>} : memref<8x2x8x128xf32, #tpu.memory_space<vmem>>, vector<16xf32>,
      tpu.vector_store %arg7[%swap3A_214, %swap3A_215, %swap3A_216, %swap3A_217], %gather3A_186 {strides = array<i32>} : memref<8x2x8x128xf32, #tpu.memory_space<vmem>>, vector<16xf32>,
      %swap3A_219 = arith.constant 0 : i32
      %swap3A_220 = arith.constant 2 : i32
      %swap3A_221 = arith.index_cast %rem3A_15 : i32 to index
      %swap3A_222 = arith.index_cast %swap3A_219 : i32 to index
      %swap3A_223 = arith.index_cast %swap3A_220 : i32 to index
      %swap3A_224 = arith.constant 64 : index
      %swap3A_225 = tpu.vector_load %arg7[%swap3A_221, %swap3A_222, %swap3A_223, %swap3A_224] {strides = array<i32>} : memref<8x2x8x128xf32, #tpu.memory_space<vmem>>, vector<16xf32>,
      tpu.vector_store %arg7[%swap3A_221, %swap3A_222, %swap3A_223, %swap3A_224], %gather3A_187 {strides = array<i32>} : memref<8x2x8x128xf32, #tpu.memory_space<vmem>>, vector<16xf32>,
      %swap3A_226 = arith.constant 0 : i32
      %swap3A_227 = arith.constant 2 : i32
      %swap3A_228 = arith.index_cast %rem3A_15 : i32 to index
      %swap3A_229 = arith.index_cast %swap3A_226 : i32 to index
      %swap3A_230 = arith.index_cast %swap3A_227 : i32 to index
      %swap3A_231 = arith.constant 80 : index
      %swap3A_232 = tpu.vector_load %arg7[%swap3A_228, %swap3A_229, %swap3A_230, %swap3A_231] {strides = array<i32>} : memref<8x2x8x128xf32, #tpu.memory_space<vmem>>, vector<16xf32>,
      tpu.vector_store %arg7[%swap3A_228, %swap3A_229, %swap3A_230, %swap3A_231], %gather3A_188 {strides = array<i32>} : memref<8x2x8x128xf32, #tpu.memory_space<vmem>>, vector<16xf32>,
      %swap3A_233 = arith.constant 0 : i32
      %swap3A_234 = arith.constant 2 : i32
      %swap3A_235 = arith.index_cast %rem3A_15 : i32 to index
      %swap3A_236 = arith.index_cast %swap3A_233 : i32 to index
      %swap3A_237 = arith.index_cast %swap3A_234 : i32 to index
      %swap3A_238 = arith.constant 96 : index
      %swap3A_239 = tpu.vector_load %arg7[%swap3A_235, %swap3A_236, %swap3A_237, %swap3A_238] {strides = array<i32>} : memref<8x2x8x128xf32, #tpu.memory_space<vmem>>, vector<16xf32>,
      tpu.vector_store %arg7[%swap3A_235, %swap3A_236, %swap3A_237, %swap3A_238], %gather3A_189 {strides = array<i32>} : memref<8x2x8x128xf32, #tpu.memory_space<vmem>>, vector<16xf32>,
      %swap3A_240 = arith.constant 0 : i32
      %swap3A_241 = arith.constant 2 : i32
      %swap3A_242 = arith.index_cast %rem3A_15 : i32 to index
      %swap3A_243 = arith.index_cast %swap3A_240 : i32 to index
      %swap3A_244 = arith.index_cast %swap3A_241 : i32 to index
      %swap3A_245 = arith.constant 112 : index
      %swap3A_246 = tpu.vector_load %arg7[%swap3A_242, %swap3A_243, %swap3A_244, %swap3A_245] {strides = array<i32>} : memref<8x2x8x128xf32, #tpu.memory_space<vmem>>, vector<16xf32>,
      tpu.vector_store %arg7[%swap3A_242, %swap3A_243, %swap3A_244, %swap3A_245], %gather3A_190 {strides = array<i32>} : memref<8x2x8x128xf32, #tpu.memory_space<vmem>>, vector<16xf32>,
      %broadcast_in_dim3A_247 = arith.constant 3 : i32
      %broadcast_in_dim3A_248 = vector.broadcast %broadcast_in_dim3A_247 : i32 to vector<16xi32>
      %gather3A_249 = tpu.vector_load_idx %arg6[%broadcast_in_dim3A_248, %get3A_23] : memref<16x1002xf32, #tpu.memory_space<vmem>>[vector<16xi32>, vector<16xi32>], vector<16xf32>,
      %gather3A_250 = tpu.vector_load_idx %arg6[%broadcast_in_dim3A_248, %get3A_27] : memref<16x1002xf32, #tpu.memory_space<vmem>>[vector<16xi32>, vector<16xi32>], vector<16xf32>,
      %gather3A_251 = tpu.vector_load_idx %arg6[%broadcast_in_dim3A_248, %get3A_31] : memref<16x1002xf32, #tpu.memory_space<vmem>>[vector<16xi32>, vector<16xi32>], vector<16xf32>,
      %gather3A_252 = tpu.vector_load_idx %arg6[%broadcast_in_dim3A_248, %get3A_35] : memref<16x1002xf32, #tpu.memory_space<vmem>>[vector<16xi32>, vector<16xi32>], vector<16xf32>,
      %gather3A_253 = tpu.vector_load_idx %arg6[%broadcast_in_dim3A_248, %get3A_39] : memref<16x1002xf32, #tpu.memory_space<vmem>>[vector<16xi32>, vector<16xi32>], vector<16xf32>,
      %gather3A_254 = tpu.vector_load_idx %arg6[%broadcast_in_dim3A_248, %get3A_43] : memref<16x1002xf32, #tpu.memory_space<vmem>>[vector<16xi32>, vector<16xi32>], vector<16xf32>,
      %gather3A_255 = tpu.vector_load_idx %arg6[%broadcast_in_dim3A_248, %get3A_47] : memref<16x1002xf32, #tpu.memory_space<vmem>>[vector<16xi32>, vector<16xi32>], vector<16xf32>,
      %gather3A_256 = tpu.vector_load_idx %arg6[%broadcast_in_dim3A_248, %get3A_51] : memref<16x1002xf32, #tpu.memory_space<vmem>>[vector<16xi32>, vector<16xi32>], vector<16xf32>,
      %swap3A_257 = arith.constant 0 : i32
      %swap3A_258 = arith.constant 3 : i32
      %swap3A_259 = arith.index_cast %rem3A_15 : i32 to index
      %swap3A_260 = arith.index_cast %swap3A_257 : i32 to index
      %swap3A_261 = arith.index_cast %swap3A_258 : i32 to index
      %swap3A_262 = arith.constant 0 : index
      %swap3A_263 = tpu.vector_load %arg7[%swap3A_259, %swap3A_260, %swap3A_261, %swap3A_262] {strides = array<i32>} : memref<8x2x8x128xf32, #tpu.memory_space<vmem>>, vector<16xf32>,
      tpu.vector_store %arg7[%swap3A_259, %swap3A_260, %swap3A_261, %swap3A_262], %gather3A_249 {strides = array<i32>} : memref<8x2x8x128xf32, #tpu.memory_space<vmem>>, vector<16xf32>,
      %swap3A_264 = arith.constant 0 : i32
      %swap3A_265 = arith.constant 3 : i32
      %swap3A_266 = arith.index_cast %rem3A_15 : i32 to index
      %swap3A_267 = arith.index_cast %swap3A_264 : i32 to index
      %swap3A_268 = arith.index_cast %swap3A_265 : i32 to index
      %swap3A_269 = arith.constant 16 : index
      %swap3A_270 = tpu.vector_load %arg7[%swap3A_266, %swap3A_267, %swap3A_268, %swap3A_269] {strides = array<i32>} : memref<8x2x8x128xf32, #tpu.memory_space<vmem>>, vector<16xf32>,
      tpu.vector_store %arg7[%swap3A_266, %swap3A_267, %swap3A_268, %swap3A_269], %gather3A_250 {strides = array<i32>} : memref<8x2x8x128xf32, #tpu.memory_space<vmem>>, vector<16xf32>,
      %swap3A_271 = arith.constant 0 : i32
      %swap3A_272 = arith.constant 3 : i32
      %swap3A_273 = arith.index_cast %rem3A_15 : i32 to index
      %swap3A_274 = arith.index_cast %swap3A_271 : i32 to index
      %swap3A_275 = arith.index_cast %swap3A_272 : i32 to index
      %swap3A_276 = arith.constant 32 : index
      %swap3A_277 = tpu.vector_load %arg7[%swap3A_273, %swap3A_274, %swap3A_275, %swap3A_276] {strides = array<i32>} : memref<8x2x8x128xf32, #tpu.memory_space<vmem>>, vector<16xf32>,
      tpu.vector_store %arg7[%swap3A_273, %swap3A_274, %swap3A_275, %swap3A_276], %gather3A_251 {strides = array<i32>} : memref<8x2x8x128xf32, #tpu.memory_space<vmem>>, vector<16xf32>,
      %swap3A_278 = arith.constant 0 : i32
      %swap3A_279 = arith.constant 3 : i32
      %swap3A_280 = arith.index_cast %rem3A_15 : i32 to index
      %swap3A_281 = arith.index_cast %swap3A_278 : i32 to index
      %swap3A_282 = arith.index_cast %swap3A_279 : i32 to index
      %swap3A_283 = arith.constant 48 : index
      %swap3A_284 = tpu.vector_load %arg7[%swap3A_280, %swap3A_281, %swap3A_282, %swap3A_283] {strides = array<i32>} : memref<8x2x8x128xf32, #tpu.memory_space<vmem>>, vector<16xf32>,
      tpu.vector_store %arg7[%swap3A_280, %swap3A_281, %swap3A_282, %swap3A_283], %gather3A_252 {strides = array<i32>} : memref<8x2x8x128xf32, #tpu.memory_space<vmem>>, vector<16xf32>,
      %swap3A_285 = arith.constant 0 : i32
      %swap3A_286 = arith.constant 3 : i32
      %swap3A_287 = arith.index_cast %rem3A_15 : i32 to index
      %swap3A_288 = arith.index_cast %swap3A_285 : i32 to index
      %swap3A_289 = arith.index_cast %swap3A_286 : i32 to index
      %swap3A_290 = arith.constant 64 : index
      %swap3A_291 = tpu.vector_load %arg7[%swap3A_287, %swap3A_288, %swap3A_289, %swap3A_290] {strides = array<i32>} : memref<8x2x8x128xf32, #tpu.memory_space<vmem>>, vector<16xf32>,
      tpu.vector_store %arg7[%swap3A_287, %swap3A_288, %swap3A_289, %swap3A_290], %gather3A_253 {strides = array<i32>} : memref<8x2x8x128xf32, #tpu.memory_space<vmem>>, vector<16xf32>,
      %swap3A_292 = arith.constant 0 : i32
      %swap3A_293 = arith.constant 3 : i32
      %swap3A_294 = arith.index_cast %rem3A_15 : i32 to index
      %swap3A_295 = arith.index_cast %swap3A_292 : i32 to index
      %swap3A_296 = arith.index_cast %swap3A_293 : i32 to index
      %swap3A_297 = arith.constant 80 : index
      %swap3A_298 = tpu.vector_load %arg7[%swap3A_294, %swap3A_295, %swap3A_296, %swap3A_297] {strides = array<i32>} : memref<8x2x8x128xf32, #tpu.memory_space<vmem>>, vector<16xf32>,
      tpu.vector_store %arg7[%swap3A_294, %swap3A_295, %swap3A_296, %swap3A_297], %gather3A_254 {strides = array<i32>} : memref<8x2x8x128xf32, #tpu.memory_space<vmem>>, vector<16xf32>,
      %swap3A_299 = arith.constant 0 : i32
      %swap3A_300 = arith.constant 3 : i32
      %swap3A_301 = arith.index_cast %rem3A_15 : i32 to index
      %swap3A_302 = arith.index_cast %swap3A_299 : i32 to index
      %swap3A_303 = arith.index_cast %swap3A_300 : i32 to index
      %swap3A_304 = arith.constant 96 : index
      %swap3A_305 = tpu.vector_load %arg7[%swap3A_301, %swap3A_302, %swap3A_303, %swap3A_304] {strides = array<i32>} : memref<8x2x8x128xf32, #tpu.memory_space<vmem>>, vector<16xf32>,
      tpu.vector_store %arg7[%swap3A_301, %swap3A_302, %swap3A_303, %swap3A_304], %gather3A_255 {strides = array<i32>} : memref<8x2x8x128xf32, #tpu.memory_space<vmem>>, vector<16xf32>,
      %swap3A_306 = arith.constant 0 : i32
      %swap3A_307 = arith.constant 3 : i32
      %swap3A_308 = arith.index_cast %rem3A_15 : i32 to index
      %swap3A_309 = arith.index_cast %swap3A_306 : i32 to index
      %swap3A_310 = arith.index_cast %swap3A_307 : i32 to index
      %swap3A_311 = arith.constant 112 : index
      %swap3A_312 = tpu.vector_load %arg7[%swap3A_308, %swap3A_309, %swap3A_310, %swap3A_311] {strides = array<i32>} : memref<8x2x8x128xf32, #tpu.memory_space<vmem>>, vector<16xf32>,
      tpu.vector_store %arg7[%swap3A_308, %swap3A_309, %swap3A_310, %swap3A_311], %gather3A_256 {strides = array<i32>} : memref<8x2x8x128xf32, #tpu.memory_space<vmem>>, vector<16xf32>,
      %broadcast_in_dim3A_313 = arith.constant 4 : i32
      %broadcast_in_dim3A_314 = vector.broadcast %broadcast_in_dim3A_313 : i32 to vector<16xi32>
      %gather3A_315 = tpu.vector_load_idx %arg6[%broadcast_in_dim3A_314, %get3A_23] : memref<16x1002xf32, #tpu.memory_space<vmem>>[vector<16xi32>, vector<16xi32>], vector<16xf32>,
      %gather3A_316 = tpu.vector_load_idx %arg6[%broadcast_in_dim3A_314, %get3A_27] : memref<16x1002xf32, #tpu.memory_space<vmem>>[vector<16xi32>, vector<16xi32>], vector<16xf32>,
      %gather3A_317 = tpu.vector_load_idx %arg6[%broadcast_in_dim3A_314, %get3A_31] : memref<16x1002xf32, #tpu.memory_space<vmem>>[vector<16xi32>, vector<16xi32>], vector<16xf32>,
      %gather3A_318 = tpu.vector_load_idx %arg6[%broadcast_in_dim3A_314, %get3A_35] : memref<16x1002xf32, #tpu.memory_space<vmem>>[vector<16xi32>, vector<16xi32>], vector<16xf32>,
      %gather3A_319 = tpu.vector_load_idx %arg6[%broadcast_in_dim3A_314, %get3A_39] : memref<16x1002xf32, #tpu.memory_space<vmem>>[vector<16xi32>, vector<16xi32>], vector<16xf32>,
      %gather3A_320 = tpu.vector_load_idx %arg6[%broadcast_in_dim3A_314, %get3A_43] : memref<16x1002xf32, #tpu.memory_space<vmem>>[vector<16xi32>, vector<16xi32>], vector<16xf32>,
      %gather3A_321 = tpu.vector_load_idx %arg6[%broadcast_in_dim3A_314, %get3A_47] : memref<16x1002xf32, #tpu.memory_space<vmem>>[vector<16xi32>, vector<16xi32>], vector<16xf32>,
      %gather3A_322 = tpu.vector_load_idx %arg6[%broadcast_in_dim3A_314, %get3A_51] : memref<16x1002xf32, #tpu.memory_space<vmem>>[vector<16xi32>, vector<16xi32>], vector<16xf32>,
      %swap3A_323 = arith.constant 0 : i32
      %swap3A_324 = arith.constant 4 : i32
      %swap3A_325 = arith.index_cast %rem3A_15 : i32 to index
      %swap3A_326 = arith.index_cast %swap3A_323 : i32 to index
      %swap3A_327 = arith.index_cast %swap3A_324 : i32 to index
      %swap3A_328 = arith.constant 0 : index
      %swap3A_329 = tpu.vector_load %arg7[%swap3A_325, %swap3A_326, %swap3A_327, %swap3A_328] {strides = array<i32>} : memref<8x2x8x128xf32, #tpu.memory_space<vmem>>, vector<16xf32>,
      tpu.vector_store %arg7[%swap3A_325, %swap3A_326, %swap3A_327, %swap3A_328], %gather3A_315 {strides = array<i32>} : memref<8x2x8x128xf32, #tpu.memory_space<vmem>>, vector<16xf32>,
      %swap3A_330 = arith.constant 0 : i32
      %swap3A_331 = arith.constant 4 : i32
      %swap3A_332 = arith.index_cast %rem3A_15 : i32 to index
      %swap3A_333 = arith.index_cast %swap3A_330 : i32 to index
      %swap3A_334 = arith.index_cast %swap3A_331 : i32 to index
      %swap3A_335 = arith.constant 16 : index
      %swap3A_336 = tpu.vector_load %arg7[%swap3A_332, %swap3A_333, %swap3A_334, %swap3A_335] {strides = array<i32>} : memref<8x2x8x128xf32, #tpu.memory_space<vmem>>, vector<16xf32>,
      tpu.vector_store %arg7[%swap3A_332, %swap3A_333, %swap3A_334, %swap3A_335], %gather3A_316 {strides = array<i32>} : memref<8x2x8x128xf32, #tpu.memory_space<vmem>>, vector<16xf32>,
      %swap3A_337 = arith.constant 0 : i32
      %swap3A_338 = arith.constant 4 : i32
      %swap3A_339 = arith.index_cast %rem3A_15 : i32 to index
      %swap3A_340 = arith.index_cast %swap3A_337 : i32 to index
      %swap3A_341 = arith.index_cast %swap3A_338 : i32 to index
      %swap3A_342 = arith.constant 32 : index
      %swap3A_343 = tpu.vector_load %arg7[%swap3A_339, %swap3A_340, %swap3A_341, %swap3A_342] {strides = array<i32>} : memref<8x2x8x128xf32, #tpu.memory_space<vmem>>, vector<16xf32>,
      tpu.vector_store %arg7[%swap3A_339, %swap3A_340, %swap3A_341, %swap3A_342], %gather3A_317 {strides = array<i32>} : memref<8x2x8x128xf32, #tpu.memory_space<vmem>>, vector<16xf32>,
      %swap3A_344 = arith.constant 0 : i32
      %swap3A_345 = arith.constant 4 : i32
      %swap3A_346 = arith.index_cast %rem3A_15 : i32 to index
      %swap3A_347 = arith.index_cast %swap3A_344 : i32 to index
      %swap3A_348 = arith.index_cast %swap3A_345 : i32 to index
      %swap3A_349 = arith.constant 48 : index
      %swap3A_350 = tpu.vector_load %arg7[%swap3A_346, %swap3A_347, %swap3A_348, %swap3A_349] {strides = array<i32>} : memref<8x2x8x128xf32, #tpu.memory_space<vmem>>, vector<16xf32>,
      tpu.vector_store %arg7[%swap3A_346, %swap3A_347, %swap3A_348, %swap3A_349], %gather3A_318 {strides = array<i32>} : memref<8x2x8x128xf32, #tpu.memory_space<vmem>>, vector<16xf32>,
      %swap3A_351 = arith.constant 0 : i32
      %swap3A_352 = arith.constant 4 : i32
      %swap3A_353 = arith.index_cast %rem3A_15 : i32 to index
      %swap3A_354 = arith.index_cast %swap3A_351 : i32 to index
      %swap3A_355 = arith.index_cast %swap3A_352 : i32 to index
      %swap3A_356 = arith.constant 64 : index
      %swap3A_357 = tpu.vector_load %arg7[%swap3A_353, %swap3A_354, %swap3A_355, %swap3A_356] {strides = array<i32>} : memref<8x2x8x128xf32, #tpu.memory_space<vmem>>, vector<16xf32>,
      tpu.vector_store %arg7[%swap3A_353, %swap3A_354, %swap3A_355, %swap3A_356], %gather3A_319 {strides = array<i32>} : memref<8x2x8x128xf32, #tpu.memory_space<vmem>>, vector<16xf32>,
      %swap3A_358 = arith.constant 0 : i32
      %swap3A_359 = arith.constant 4 : i32
      %swap3A_360 = arith.index_cast %rem3A_15 : i32 to index
      %swap3A_361 = arith.index_cast %swap3A_358 : i32 to index
      %swap3A_362 = arith.index_cast %swap3A_359 : i32 to index
      %swap3A_363 = arith.constant 80 : index
      %swap3A_364 = tpu.vector_load %arg7[%swap3A_360, %swap3A_361, %swap3A_362, %swap3A_363] {strides = array<i32>} : memref<8x2x8x128xf32, #tpu.memory_space<vmem>>, vector<16xf32>,
      tpu.vector_store %arg7[%swap3A_360, %swap3A_361, %swap3A_362, %swap3A_363], %gather3A_320 {strides = array<i32>} : memref<8x2x8x128xf32, #tpu.memory_space<vmem>>, vector<16xf32>,
      %swap3A_365 = arith.constant 0 : i32
      %swap3A_366 = arith.constant 4 : i32
      %swap3A_367 = arith.index_cast %rem3A_15 : i32 to index
      %swap3A_368 = arith.index_cast %swap3A_365 : i32 to index
      %swap3A_369 = arith.index_cast %swap3A_366 : i32 to index
      %swap3A_370 = arith.constant 96 : index
      %swap3A_371 = tpu.vector_load %arg7[%swap3A_367, %swap3A_368, %swap3A_369, %swap3A_370] {strides = array<i32>} : memref<8x2x8x128xf32, #tpu.memory_space<vmem>>, vector<16xf32>,
      tpu.vector_store %arg7[%swap3A_367, %swap3A_368, %swap3A_369, %swap3A_370], %gather3A_321 {strides = array<i32>} : memref<8x2x8x128xf32, #tpu.memory_space<vmem>>, vector<16xf32>,
      %swap3A_372 = arith.constant 0 : i32
      %swap3A_373 = arith.constant 4 : i32
      %swap3A_374 = arith.index_cast %rem3A_15 : i32 to index
      %swap3A_375 = arith.index_cast %swap3A_372 : i32 to index
      %swap3A_376 = arith.index_cast %swap3A_373 : i32 to index
      %swap3A_377 = arith.constant 112 : index
      %swap3A_378 = tpu.vector_load %arg7[%swap3A_374, %swap3A_375, %swap3A_376, %swap3A_377] {strides = array<i32>} : memref<8x2x8x128xf32, #tpu.memory_space<vmem>>, vector<16xf32>,
      tpu.vector_store %arg7[%swap3A_374, %swap3A_375, %swap3A_376, %swap3A_377], %gather3A_322 {strides = array<i32>} : memref<8x2x8x128xf32, #tpu.memory_space<vmem>>, vector<16xf32>,
      %broadcast_in_dim3A_379 = arith.constant 5 : i32
      %broadcast_in_dim3A_380 = vector.broadcast %broadcast_in_dim3A_379 : i32 to vector<16xi32>
      %gather3A_381 = tpu.vector_load_idx %arg6[%broadcast_in_dim3A_380, %get3A_23] : memref<16x1002xf32, #tpu.memory_space<vmem>>[vector<16xi32>, vector<16xi32>], vector<16xf32>,
      %gather3A_382 = tpu.vector_load_idx %arg6[%broadcast_in_dim3A_380, %get3A_27] : memref<16x1002xf32, #tpu.memory_space<vmem>>[vector<16xi32>, vector<16xi32>], vector<16xf32>,
      %gather3A_383 = tpu.vector_load_idx %arg6[%broadcast_in_dim3A_380, %get3A_31] : memref<16x1002xf32, #tpu.memory_space<vmem>>[vector<16xi32>, vector<16xi32>], vector<16xf32>,
      %gather3A_384 = tpu.vector_load_idx %arg6[%broadcast_in_dim3A_380, %get3A_35] : memref<16x1002xf32, #tpu.memory_space<vmem>>[vector<16xi32>, vector<16xi32>], vector<16xf32>,
      %gather3A_385 = tpu.vector_load_idx %arg6[%broadcast_in_dim3A_380, %get3A_39] : memref<16x1002xf32, #tpu.memory_space<vmem>>[vector<16xi32>, vector<16xi32>], vector<16xf32>,
      %gather3A_386 = tpu.vector_load_idx %arg6[%broadcast_in_dim3A_380, %get3A_43] : memref<16x1002xf32, #tpu.memory_space<vmem>>[vector<16xi32>, vector<16xi32>], vector<16xf32>,
      %gather3A_387 = tpu.vector_load_idx %arg6[%broadcast_in_dim3A_380, %get3A_47] : memref<16x1002xf32, #tpu.memory_space<vmem>>[vector<16xi32>, vector<16xi32>], vector<16xf32>,
      %gather3A_388 = tpu.vector_load_idx %arg6[%broadcast_in_dim3A_380, %get3A_51] : memref<16x1002xf32, #tpu.memory_space<vmem>>[vector<16xi32>, vector<16xi32>], vector<16xf32>,
      %swap3A_389 = arith.constant 0 : i32
      %swap3A_390 = arith.constant 5 : i32
      %swap3A_391 = arith.index_cast %rem3A_15 : i32 to index
      %swap3A_392 = arith.index_cast %swap3A_389 : i32 to index
      %swap3A_393 = arith.index_cast %swap3A_390 : i32 to index
      %swap3A_394 = arith.constant 0 : index
      %swap3A_395 = tpu.vector_load %arg7[%swap3A_391, %swap3A_392, %swap3A_393, %swap3A_394] {strides = array<i32>} : memref<8x2x8x128xf32, #tpu.memory_space<vmem>>, vector<16xf32>,
      tpu.vector_store %arg7[%swap3A_391, %swap3A_392, %swap3A_393, %swap3A_394], %gather3A_381 {strides = array<i32>} : memref<8x2x8x128xf32, #tpu.memory_space<vmem>>, vector<16xf32>,
      %swap3A_396 = arith.constant 0 : i32
      %swap3A_397 = arith.constant 5 : i32
      %swap3A_398 = arith.index_cast %rem3A_15 : i32 to index
      %swap3A_399 = arith.index_cast %swap3A_396 : i32 to index
      %swap3A_400 = arith.index_cast %swap3A_397 : i32 to index
      %swap3A_401 = arith.constant 16 : index
      %swap3A_402 = tpu.vector_load %arg7[%swap3A_398, %swap3A_399, %swap3A_400, %swap3A_401] {strides = array<i32>} : memref<8x2x8x128xf32, #tpu.memory_space<vmem>>, vector<16xf32>,
      tpu.vector_store %arg7[%swap3A_398, %swap3A_399, %swap3A_400, %swap3A_401], %gather3A_382 {strides = array<i32>} : memref<8x2x8x128xf32, #tpu.memory_space<vmem>>, vector<16xf32>,
      %swap3A_403 = arith.constant 0 : i32
      %swap3A_404 = arith.constant 5 : i32
      %swap3A_405 = arith.index_cast %rem3A_15 : i32 to index
      %swap3A_406 = arith.index_cast %swap3A_403 : i32 to index
      %swap3A_407 = arith.index_cast %swap3A_404 : i32 to index
      %swap3A_408 = arith.constant 32 : index
      %swap3A_409 = tpu.vector_load %arg7[%swap3A_405, %swap3A_406, %swap3A_407, %swap3A_408] {strides = array<i32>} : memref<8x2x8x128xf32, #tpu.memory_space<vmem>>, vector<16xf32>,
      tpu.vector_store %arg7[%swap3A_405, %swap3A_406, %swap3A_407, %swap3A_408], %gather3A_383 {strides = array<i32>} : memref<8x2x8x128xf32, #tpu.memory_space<vmem>>, vector<16xf32>,
      %swap3A_410 = arith.constant 0 : i32
      %swap3A_411 = arith.constant 5 : i32
      %swap3A_412 = arith.index_cast %rem3A_15 : i32 to index
      %swap3A_413 = arith.index_cast %swap3A_410 : i32 to index
      %swap3A_414 = arith.index_cast %swap3A_411 : i32 to index
      %swap3A_415 = arith.constant 48 : index
      %swap3A_416 = tpu.vector_load %arg7[%swap3A_412, %swap3A_413, %swap3A_414, %swap3A_415] {strides = array<i32>} : memref<8x2x8x128xf32, #tpu.memory_space<vmem>>, vector<16xf32>,
      tpu.vector_store %arg7[%swap3A_412, %swap3A_413, %swap3A_414, %swap3A_415], %gather3A_384 {strides = array<i32>} : memref<8x2x8x128xf32, #tpu.memory_space<vmem>>, vector<16xf32>,
      %swap3A_417 = arith.constant 0 : i32
      %swap3A_418 = arith.constant 5 : i32
      %swap3A_419 = arith.index_cast %rem3A_15 : i32 to index
      %swap3A_420 = arith.index_cast %swap3A_417 : i32 to index
      %swap3A_421 = arith.index_cast %swap3A_418 : i32 to index
      %swap3A_422 = arith.constant 64 : index
      %swap3A_423 = tpu.vector_load %arg7[%swap3A_419, %swap3A_420, %swap3A_421, %swap3A_422] {strides = array<i32>} : memref<8x2x8x128xf32, #tpu.memory_space<vmem>>, vector<16xf32>,
      tpu.vector_store %arg7[%swap3A_419, %swap3A_420, %swap3A_421, %swap3A_422], %gather3A_385 {strides = array<i32>} : memref<8x2x8x128xf32, #tpu.memory_space<vmem>>, vector<16xf32>,
      %swap3A_424 = arith.constant 0 : i32
      %swap3A_425 = arith.constant 5 : i32
      %swap3A_426 = arith.index_cast %rem3A_15 : i32 to index
      %swap3A_427 = arith.index_cast %swap3A_424 : i32 to index
      %swap3A_428 = arith.index_cast %swap3A_425 : i32 to index
      %swap3A_429 = arith.constant 80 : index
      %swap3A_430 = tpu.vector_load %arg7[%swap3A_426, %swap3A_427, %swap3A_428, %swap3A_429] {strides = array<i32>} : memref<8x2x8x128xf32, #tpu.memory_space<vmem>>, vector<16xf32>,
      tpu.vector_store %arg7[%swap3A_426, %swap3A_427, %swap3A_428, %swap3A_429], %gather3A_386 {strides = array<i32>} : memref<8x2x8x128xf32, #tpu.memory_space<vmem>>, vector<16xf32>,
      %swap3A_431 = arith.constant 0 : i32
      %swap3A_432 = arith.constant 5 : i32
      %swap3A_433 = arith.index_cast %rem3A_15 : i32 to index
      %swap3A_434 = arith.index_cast %swap3A_431 : i32 to index
      %swap3A_435 = arith.index_cast %swap3A_432 : i32 to index
      %swap3A_436 = arith.constant 96 : index
      %swap3A_437 = tpu.vector_load %arg7[%swap3A_433, %swap3A_434, %swap3A_435, %swap3A_436] {strides = array<i32>} : memref<8x2x8x128xf32, #tpu.memory_space<vmem>>, vector<16xf32>,
      tpu.vector_store %arg7[%swap3A_433, %swap3A_434, %swap3A_435, %swap3A_436], %gather3A_387 {strides = array<i32>} : memref<8x2x8x128xf32, #tpu.memory_space<vmem>>, vector<16xf32>,
      %swap3A_438 = arith.constant 0 : i32
      %swap3A_439 = arith.constant 5 : i32
      %swap3A_440 = arith.index_cast %rem3A_15 : i32 to index
      %swap3A_441 = arith.index_cast %swap3A_438 : i32 to index
      %swap3A_442 = arith.index_cast %swap3A_439 : i32 to index
      %swap3A_443 = arith.constant 112 : index
      %swap3A_444 = tpu.vector_load %arg7[%swap3A_440, %swap3A_441, %swap3A_442, %swap3A_443] {strides = array<i32>} : memref<8x2x8x128xf32, #tpu.memory_space<vmem>>, vector<16xf32>,
      tpu.vector_store %arg7[%swap3A_440, %swap3A_441, %swap3A_442, %swap3A_443], %gather3A_388 {strides = array<i32>} : memref<8x2x8x128xf32, #tpu.memory_space<vmem>>, vector<16xf32>,
      %broadcast_in_dim3A_445 = arith.constant 6 : i32
      %broadcast_in_dim3A_446 = vector.broadcast %broadcast_in_dim3A_445 : i32 to vector<16xi32>
      %gather3A_447 = tpu.vector_load_idx %arg6[%broadcast_in_dim3A_446, %get3A_23] : memref<16x1002xf32, #tpu.memory_space<vmem>>[vector<16xi32>, vector<16xi32>], vector<16xf32>,
      %gather3A_448 = tpu.vector_load_idx %arg6[%broadcast_in_dim3A_446, %get3A_27] : memref<16x1002xf32, #tpu.memory_space<vmem>>[vector<16xi32>, vector<16xi32>], vector<16xf32>,
      %gather3A_449 = tpu.vector_load_idx %arg6[%broadcast_in_dim3A_446, %get3A_31] : memref<16x1002xf32, #tpu.memory_space<vmem>>[vector<16xi32>, vector<16xi32>], vector<16xf32>,
      %gather3A_450 = tpu.vector_load_idx %arg6[%broadcast_in_dim3A_446, %get3A_35] : memref<16x1002xf32, #tpu.memory_space<vmem>>[vector<16xi32>, vector<16xi32>], vector<16xf32>,
      %gather3A_451 = tpu.vector_load_idx %arg6[%broadcast_in_dim3A_446, %get3A_39] : memref<16x1002xf32, #tpu.memory_space<vmem>>[vector<16xi32>, vector<16xi32>], vector<16xf32>,
      %gather3A_452 = tpu.vector_load_idx %arg6[%broadcast_in_dim3A_446, %get3A_43] : memref<16x1002xf32, #tpu.memory_space<vmem>>[vector<16xi32>, vector<16xi32>], vector<16xf32>,
      %gather3A_453 = tpu.vector_load_idx %arg6[%broadcast_in_dim3A_446, %get3A_47] : memref<16x1002xf32, #tpu.memory_space<vmem>>[vector<16xi32>, vector<16xi32>], vector<16xf32>,
      %gather3A_454 = tpu.vector_load_idx %arg6[%broadcast_in_dim3A_446, %get3A_51] : memref<16x1002xf32, #tpu.memory_space<vmem>>[vector<16xi32>, vector<16xi32>], vector<16xf32>,
      %swap3A_455 = arith.constant 0 : i32
      %swap3A_456 = arith.constant 6 : i32
      %swap3A_457 = arith.index_cast %rem3A_15 : i32 to index
      %swap3A_458 = arith.index_cast %swap3A_455 : i32 to index
      %swap3A_459 = arith.index_cast %swap3A_456 : i32 to index
      %swap3A_460 = arith.constant 0 : index
      %swap3A_461 = tpu.vector_load %arg7[%swap3A_457, %swap3A_458, %swap3A_459, %swap3A_460] {strides = array<i32>} : memref<8x2x8x128xf32, #tpu.memory_space<vmem>>, vector<16xf32>,
      tpu.vector_store %arg7[%swap3A_457, %swap3A_458, %swap3A_459, %swap3A_460], %gather3A_447 {strides = array<i32>} : memref<8x2x8x128xf32, #tpu.memory_space<vmem>>, vector<16xf32>,
      %swap3A_462 = arith.constant 0 : i32
      %swap3A_463 = arith.constant 6 : i32
      %swap3A_464 = arith.index_cast %rem3A_15 : i32 to index
      %swap3A_465 = arith.index_cast %swap3A_462 : i32 to index
      %swap3A_466 = arith.index_cast %swap3A_463 : i32 to index
      %swap3A_467 = arith.constant 16 : index
      %swap3A_468 = tpu.vector_load %arg7[%swap3A_464, %swap3A_465, %swap3A_466, %swap3A_467] {strides = array<i32>} : memref<8x2x8x128xf32, #tpu.memory_space<vmem>>, vector<16xf32>,
      tpu.vector_store %arg7[%swap3A_464, %swap3A_465, %swap3A_466, %swap3A_467], %gather3A_448 {strides = array<i32>} : memref<8x2x8x128xf32, #tpu.memory_space<vmem>>, vector<16xf32>,
      %swap3A_469 = arith.constant 0 : i32
      %swap3A_470 = arith.constant 6 : i32
      %swap3A_471 = arith.index_cast %rem3A_15 : i32 to index
      %swap3A_472 = arith.index_cast %swap3A_469 : i32 to index
      %swap3A_473 = arith.index_cast %swap3A_470 : i32 to index
      %swap3A_474 = arith.constant 32 : index
      %swap3A_475 = tpu.vector_load %arg7[%swap3A_471, %swap3A_472, %swap3A_473, %swap3A_474] {strides = array<i32>} : memref<8x2x8x128xf32, #tpu.memory_space<vmem>>, vector<16xf32>,
      tpu.vector_store %arg7[%swap3A_471, %swap3A_472, %swap3A_473, %swap3A_474], %gather3A_449 {strides = array<i32>} : memref<8x2x8x128xf32, #tpu.memory_space<vmem>>, vector<16xf32>,
      %swap3A_476 = arith.constant 0 : i32
      %swap3A_477 = arith.constant 6 : i32
      %swap3A_478 = arith.index_cast %rem3A_15 : i32 to index
      %swap3A_479 = arith.index_cast %swap3A_476 : i32 to index
      %swap3A_480 = arith.index_cast %swap3A_477 : i32 to index
      %swap3A_481 = arith.constant 48 : index
      %swap3A_482 = tpu.vector_load %arg7[%swap3A_478, %swap3A_479, %swap3A_480, %swap3A_481] {strides = array<i32>} : memref<8x2x8x128xf32, #tpu.memory_space<vmem>>, vector<16xf32>,
      tpu.vector_store %arg7[%swap3A_478, %swap3A_479, %swap3A_480, %swap3A_481], %gather3A_450 {strides = array<i32>} : memref<8x2x8x128xf32, #tpu.memory_space<vmem>>, vector<16xf32>,
      %swap3A_483 = arith.constant 0 : i32
      %swap3A_484 = arith.constant 6 : i32
      %swap3A_485 = arith.index_cast %rem3A_15 : i32 to index
      %swap3A_486 = arith.index_cast %swap3A_483 : i32 to index
      %swap3A_487 = arith.index_cast %swap3A_484 : i32 to index
      %swap3A_488 = arith.constant 64 : index
      %swap3A_489 = tpu.vector_load %arg7[%swap3A_485, %swap3A_486, %swap3A_487, %swap3A_488] {strides = array<i32>} : memref<8x2x8x128xf32, #tpu.memory_space<vmem>>, vector<16xf32>,
      tpu.vector_store %arg7[%swap3A_485, %swap3A_486, %swap3A_487, %swap3A_488], %gather3A_451 {strides = array<i32>} : memref<8x2x8x128xf32, #tpu.memory_space<vmem>>, vector<16xf32>,
      %swap3A_490 = arith.constant 0 : i32
      %swap3A_491 = arith.constant 6 : i32
      %swap3A_492 = arith.index_cast %rem3A_15 : i32 to index
      %swap3A_493 = arith.index_cast %swap3A_490 : i32 to index
      %swap3A_494 = arith.index_cast %swap3A_491 : i32 to index
      %swap3A_495 = arith.constant 80 : index
      %swap3A_496 = tpu.vector_load %arg7[%swap3A_492, %swap3A_493, %swap3A_494, %swap3A_495] {strides = array<i32>} : memref<8x2x8x128xf32, #tpu.memory_space<vmem>>, vector<16xf32>,
      tpu.vector_store %arg7[%swap3A_492, %swap3A_493, %swap3A_494, %swap3A_495], %gather3A_452 {strides = array<i32>} : memref<8x2x8x128xf32, #tpu.memory_space<vmem>>, vector<16xf32>,
      %swap3A_497 = arith.constant 0 : i32
      %swap3A_498 = arith.constant 6 : i32
      %swap3A_499 = arith.index_cast %rem3A_15 : i32 to index
      %swap3A_500 = arith.index_cast %swap3A_497 : i32 to index
      %swap3A_501 = arith.index_cast %swap3A_498 : i32 to index
      %swap3A_502 = arith.constant 96 : index
      %swap3A_503 = tpu.vector_load %arg7[%swap3A_499, %swap3A_500, %swap3A_501, %swap3A_502] {strides = array<i32>} : memref<8x2x8x128xf32, #tpu.memory_space<vmem>>, vector<16xf32>,
      tpu.vector_store %arg7[%swap3A_499, %swap3A_500, %swap3A_501, %swap3A_502], %gather3A_453 {strides = array<i32>} : memref<8x2x8x128xf32, #tpu.memory_space<vmem>>, vector<16xf32>,
      %swap3A_504 = arith.constant 0 : i32
      %swap3A_505 = arith.constant 6 : i32
      %swap3A_506 = arith.index_cast %rem3A_15 : i32 to index
      %swap3A_507 = arith.index_cast %swap3A_504 : i32 to index
      %swap3A_508 = arith.index_cast %swap3A_505 : i32 to index
      %swap3A_509 = arith.constant 112 : index
      %swap3A_510 = tpu.vector_load %arg7[%swap3A_506, %swap3A_507, %swap3A_508, %swap3A_509] {strides = array<i32>} : memref<8x2x8x128xf32, #tpu.memory_space<vmem>>, vector<16xf32>,
      tpu.vector_store %arg7[%swap3A_506, %swap3A_507, %swap3A_508, %swap3A_509], %gather3A_454 {strides = array<i32>} : memref<8x2x8x128xf32, #tpu.memory_space<vmem>>, vector<16xf32>,
      %broadcast_in_dim3A_511 = arith.constant 7 : i32
      %broadcast_in_dim3A_512 = vector.broadcast %broadcast_in_dim3A_511 : i32 to vector<16xi32>
      %gather3A_513 = tpu.vector_load_idx %arg6[%broadcast_in_dim3A_512, %get3A_23] : memref<16x1002xf32, #tpu.memory_space<vmem>>[vector<16xi32>, vector<16xi32>], vector<16xf32>,
      %gather3A_514 = tpu.vector_load_idx %arg6[%broadcast_in_dim3A_512, %get3A_27] : memref<16x1002xf32, #tpu.memory_space<vmem>>[vector<16xi32>, vector<16xi32>], vector<16xf32>,
      %gather3A_515 = tpu.vector_load_idx %arg6[%broadcast_in_dim3A_512, %get3A_31] : memref<16x1002xf32, #tpu.memory_space<vmem>>[vector<16xi32>, vector<16xi32>], vector<16xf32>,
      %gather3A_516 = tpu.vector_load_idx %arg6[%broadcast_in_dim3A_512, %get3A_35] : memref<16x1002xf32, #tpu.memory_space<vmem>>[vector<16xi32>, vector<16xi32>], vector<16xf32>,
      %gather3A_517 = tpu.vector_load_idx %arg6[%broadcast_in_dim3A_512, %get3A_39] : memref<16x1002xf32, #tpu.memory_space<vmem>>[vector<16xi32>, vector<16xi32>], vector<16xf32>,
      %gather3A_518 = tpu.vector_load_idx %arg6[%broadcast_in_dim3A_512, %get3A_43] : memref<16x1002xf32, #tpu.memory_space<vmem>>[vector<16xi32>, vector<16xi32>], vector<16xf32>,
      %gather3A_519 = tpu.vector_load_idx %arg6[%broadcast_in_dim3A_512, %get3A_47] : memref<16x1002xf32, #tpu.memory_space<vmem>>[vector<16xi32>, vector<16xi32>], vector<16xf32>,
      %gather3A_520 = tpu.vector_load_idx %arg6[%broadcast_in_dim3A_512, %get3A_51] : memref<16x1002xf32, #tpu.memory_space<vmem>>[vector<16xi32>, vector<16xi32>], vector<16xf32>,
      %swap3A_521 = arith.constant 0 : i32
      %swap3A_522 = arith.constant 7 : i32
      %swap3A_523 = arith.index_cast %rem3A_15 : i32 to index
      %swap3A_524 = arith.index_cast %swap3A_521 : i32 to index
      %swap3A_525 = arith.index_cast %swap3A_522 : i32 to index
      %swap3A_526 = arith.constant 0 : index
      %swap3A_527 = tpu.vector_load %arg7[%swap3A_523, %swap3A_524, %swap3A_525, %swap3A_526] {strides = array<i32>} : memref<8x2x8x128xf32, #tpu.memory_space<vmem>>, vector<16xf32>,
      tpu.vector_store %arg7[%swap3A_523, %swap3A_524, %swap3A_525, %swap3A_526], %gather3A_513 {strides = array<i32>} : memref<8x2x8x128xf32, #tpu.memory_space<vmem>>, vector<16xf32>,
      %swap3A_528 = arith.constant 0 : i32
      %swap3A_529 = arith.constant 7 : i32
      %swap3A_530 = arith.index_cast %rem3A_15 : i32 to index
      %swap3A_531 = arith.index_cast %swap3A_528 : i32 to index
      %swap3A_532 = arith.index_cast %swap3A_529 : i32 to index
      %swap3A_533 = arith.constant 16 : index
      %swap3A_534 = tpu.vector_load %arg7[%swap3A_530, %swap3A_531, %swap3A_532, %swap3A_533] {strides = array<i32>} : memref<8x2x8x128xf32, #tpu.memory_space<vmem>>, vector<16xf32>,
      tpu.vector_store %arg7[%swap3A_530, %swap3A_531, %swap3A_532, %swap3A_533], %gather3A_514 {strides = array<i32>} : memref<8x2x8x128xf32, #tpu.memory_space<vmem>>, vector<16xf32>,
      %swap3A_535 = arith.constant 0 : i32
      %swap3A_536 = arith.constant 7 : i32
      %swap3A_537 = arith.index_cast %rem3A_15 : i32 to index
      %swap3A_538 = arith.index_cast %swap3A_535 : i32 to index
      %swap3A_539 = arith.index_cast %swap3A_536 : i32 to index
      %swap3A_540 = arith.constant 32 : index
      %swap3A_541 = tpu.vector_load %arg7[%swap3A_537, %swap3A_538, %swap3A_539, %swap3A_540] {strides = array<i32>} : memref<8x2x8x128xf32, #tpu.memory_space<vmem>>, vector<16xf32>,
      tpu.vector_store %arg7[%swap3A_537, %swap3A_538, %swap3A_539, %swap3A_540], %gather3A_515 {strides = array<i32>} : memref<8x2x8x128xf32, #tpu.memory_space<vmem>>, vector<16xf32>,
      %swap3A_542 = arith.constant 0 : i32
      %swap3A_543 = arith.constant 7 : i32
      %swap3A_544 = arith.index_cast %rem3A_15 : i32 to index
      %swap3A_545 = arith.index_cast %swap3A_542 : i32 to index
      %swap3A_546 = arith.index_cast %swap3A_543 : i32 to index
      %swap3A_547 = arith.constant 48 : index
      %swap3A_548 = tpu.vector_load %arg7[%swap3A_544, %swap3A_545, %swap3A_546, %swap3A_547] {strides = array<i32>} : memref<8x2x8x128xf32, #tpu.memory_space<vmem>>, vector<16xf32>,
      tpu.vector_store %arg7[%swap3A_544, %swap3A_545, %swap3A_546, %swap3A_547], %gather3A_516 {strides = array<i32>} : memref<8x2x8x128xf32, #tpu.memory_space<vmem>>, vector<16xf32>,
      %swap3A_549 = arith.constant 0 : i32
      %swap3A_550 = arith.constant 7 : i32
      %swap3A_551 = arith.index_cast %rem3A_15 : i32 to index
      %swap3A_552 = arith.index_cast %swap3A_549 : i32 to index
      %swap3A_553 = arith.index_cast %swap3A_550 : i32 to index
      %swap3A_554 = arith.constant 64 : index
      %swap3A_555 = tpu.vector_load %arg7[%swap3A_551, %swap3A_552, %swap3A_553, %swap3A_554] {strides = array<i32>} : memref<8x2x8x128xf32, #tpu.memory_space<vmem>>, vector<16xf32>,
      tpu.vector_store %arg7[%swap3A_551, %swap3A_552, %swap3A_553, %swap3A_554], %gather3A_517 {strides = array<i32>} : memref<8x2x8x128xf32, #tpu.memory_space<vmem>>, vector<16xf32>,
      %swap3A_556 = arith.constant 0 : i32
      %swap3A_557 = arith.constant 7 : i32
      %swap3A_558 = arith.index_cast %rem3A_15 : i32 to index
      %swap3A_559 = arith.index_cast %swap3A_556 : i32 to index
      %swap3A_560 = arith.index_cast %swap3A_557 : i32 to index
      %swap3A_561 = arith.constant 80 : index
      %swap3A_562 = tpu.vector_load %arg7[%swap3A_558, %swap3A_559, %swap3A_560, %swap3A_561] {strides = array<i32>} : memref<8x2x8x128xf32, #tpu.memory_space<vmem>>, vector<16xf32>,
      tpu.vector_store %arg7[%swap3A_558, %swap3A_559, %swap3A_560, %swap3A_561], %gather3A_518 {strides = array<i32>} : memref<8x2x8x128xf32, #tpu.memory_space<vmem>>, vector<16xf32>,
      %swap3A_563 = arith.constant 0 : i32
      %swap3A_564 = arith.constant 7 : i32
      %swap3A_565 = arith.index_cast %rem3A_15 : i32 to index
      %swap3A_566 = arith.index_cast %swap3A_563 : i32 to index
      %swap3A_567 = arith.index_cast %swap3A_564 : i32 to index
      %swap3A_568 = arith.constant 96 : index
      %swap3A_569 = tpu.vector_load %arg7[%swap3A_565, %swap3A_566, %swap3A_567, %swap3A_568] {strides = array<i32>} : memref<8x2x8x128xf32, #tpu.memory_space<vmem>>, vector<16xf32>,
      tpu.vector_store %arg7[%swap3A_565, %swap3A_566, %swap3A_567, %swap3A_568], %gather3A_519 {strides = array<i32>} : memref<8x2x8x128xf32, #tpu.memory_space<vmem>>, vector<16xf32>,
      %swap3A_570 = arith.constant 0 : i32
      %swap3A_571 = arith.constant 7 : i32
      %swap3A_572 = arith.index_cast %rem3A_15 : i32 to index
      %swap3A_573 = arith.index_cast %swap3A_570 : i32 to index
      %swap3A_574 = arith.index_cast %swap3A_571 : i32 to index
      %swap3A_575 = arith.constant 112 : index
      %swap3A_576 = tpu.vector_load %arg7[%swap3A_572, %swap3A_573, %swap3A_574, %swap3A_575] {strides = array<i32>} : memref<8x2x8x128xf32, #tpu.memory_space<vmem>>, vector<16xf32>,
      tpu.vector_store %arg7[%swap3A_572, %swap3A_573, %swap3A_574, %swap3A_575], %gather3A_520 {strides = array<i32>} : memref<8x2x8x128xf32, #tpu.memory_space<vmem>>, vector<16xf32>,
      %broadcast_in_dim3A_577 = arith.constant 8 : i32
      %broadcast_in_dim3A_578 = vector.broadcast %broadcast_in_dim3A_577 : i32 to vector<16xi32>
      %gather3A_579 = tpu.vector_load_idx %arg6[%broadcast_in_dim3A_578, %get3A_23] : memref<16x1002xf32, #tpu.memory_space<vmem>>[vector<16xi32>, vector<16xi32>], vector<16xf32>,
      %gather3A_580 = tpu.vector_load_idx %arg6[%broadcast_in_dim3A_578, %get3A_27] : memref<16x1002xf32, #tpu.memory_space<vmem>>[vector<16xi32>, vector<16xi32>], vector<16xf32>,
      %gather3A_581 = tpu.vector_load_idx %arg6[%broadcast_in_dim3A_578, %get3A_31] : memref<16x1002xf32, #tpu.memory_space<vmem>>[vector<16xi32>, vector<16xi32>], vector<16xf32>,
      %gather3A_582 = tpu.vector_load_idx %arg6[%broadcast_in_dim3A_578, %get3A_35] : memref<16x1002xf32, #tpu.memory_space<vmem>>[vector<16xi32>, vector<16xi32>], vector<16xf32>,
      %gather3A_583 = tpu.vector_load_idx %arg6[%broadcast_in_dim3A_578, %get3A_39] : memref<16x1002xf32, #tpu.memory_space<vmem>>[vector<16xi32>, vector<16xi32>], vector<16xf32>,
      %gather3A_584 = tpu.vector_load_idx %arg6[%broadcast_in_dim3A_578, %get3A_43] : memref<16x1002xf32, #tpu.memory_space<vmem>>[vector<16xi32>, vector<16xi32>], vector<16xf32>,
      %gather3A_585 = tpu.vector_load_idx %arg6[%broadcast_in_dim3A_578, %get3A_47] : memref<16x1002xf32, #tpu.memory_space<vmem>>[vector<16xi32>, vector<16xi32>], vector<16xf32>,
      %gather3A_586 = tpu.vector_load_idx %arg6[%broadcast_in_dim3A_578, %get3A_51] : memref<16x1002xf32, #tpu.memory_space<vmem>>[vector<16xi32>, vector<16xi32>], vector<16xf32>,
      %swap3A_587 = arith.constant 1 : i32
      %swap3A_588 = arith.constant 0 : i32
      %swap3A_589 = arith.index_cast %rem3A_15 : i32 to index
      %swap3A_590 = arith.index_cast %swap3A_587 : i32 to index
      %swap3A_591 = arith.index_cast %swap3A_588 : i32 to index
      %swap3A_592 = arith.constant 0 : index
      %swap3A_593 = tpu.vector_load %arg7[%swap3A_589, %swap3A_590, %swap3A_591, %swap3A_592] {strides = array<i32>} : memref<8x2x8x128xf32, #tpu.memory_space<vmem>>, vector<16xf32>,
      tpu.vector_store %arg7[%swap3A_589, %swap3A_590, %swap3A_591, %swap3A_592], %gather3A_579 {strides = array<i32>} : memref<8x2x8x128xf32, #tpu.memory_space<vmem>>, vector<16xf32>,
      %swap3A_594 = arith.constant 1 : i32
      %swap3A_595 = arith.constant 0 : i32
      %swap3A_596 = arith.index_cast %rem3A_15 : i32 to index
      %swap3A_597 = arith.index_cast %swap3A_594 : i32 to index
      %swap3A_598 = arith.index_cast %swap3A_595 : i32 to index
      %swap3A_599 = arith.constant 16 : index
      %swap3A_600 = tpu.vector_load %arg7[%swap3A_596, %swap3A_597, %swap3A_598, %swap3A_599] {strides = array<i32>} : memref<8x2x8x128xf32, #tpu.memory_space<vmem>>, vector<16xf32>,
      tpu.vector_store %arg7[%swap3A_596, %swap3A_597, %swap3A_598, %swap3A_599], %gather3A_580 {strides = array<i32>} : memref<8x2x8x128xf32, #tpu.memory_space<vmem>>, vector<16xf32>,
      %swap3A_601 = arith.constant 1 : i32
      %swap3A_602 = arith.constant 0 : i32
      %swap3A_603 = arith.index_cast %rem3A_15 : i32 to index
      %swap3A_604 = arith.index_cast %swap3A_601 : i32 to index
      %swap3A_605 = arith.index_cast %swap3A_602 : i32 to index
      %swap3A_606 = arith.constant 32 : index
      %swap3A_607 = tpu.vector_load %arg7[%swap3A_603, %swap3A_604, %swap3A_605, %swap3A_606] {strides = array<i32>} : memref<8x2x8x128xf32, #tpu.memory_space<vmem>>, vector<16xf32>,
      tpu.vector_store %arg7[%swap3A_603, %swap3A_604, %swap3A_605, %swap3A_606], %gather3A_581 {strides = array<i32>} : memref<8x2x8x128xf32, #tpu.memory_space<vmem>>, vector<16xf32>,
      %swap3A_608 = arith.constant 1 : i32
      %swap3A_609 = arith.constant 0 : i32
      %swap3A_610 = arith.index_cast %rem3A_15 : i32 to index
      %swap3A_611 = arith.index_cast %swap3A_608 : i32 to index
      %swap3A_612 = arith.index_cast %swap3A_609 : i32 to index
      %swap3A_613 = arith.constant 48 : index
      %swap3A_614 = tpu.vector_load %arg7[%swap3A_610, %swap3A_611, %swap3A_612, %swap3A_613] {strides = array<i32>} : memref<8x2x8x128xf32, #tpu.memory_space<vmem>>, vector<16xf32>,
      tpu.vector_store %arg7[%swap3A_610, %swap3A_611, %swap3A_612, %swap3A_613], %gather3A_582 {strides = array<i32>} : memref<8x2x8x128xf32, #tpu.memory_space<vmem>>, vector<16xf32>,
      %swap3A_615 = arith.constant 1 : i32
      %swap3A_616 = arith.constant 0 : i32
      %swap3A_617 = arith.index_cast %rem3A_15 : i32 to index
      %swap3A_618 = arith.index_cast %swap3A_615 : i32 to index
      %swap3A_619 = arith.index_cast %swap3A_616 : i32 to index
      %swap3A_620 = arith.constant 64 : index
      %swap3A_621 = tpu.vector_load %arg7[%swap3A_617, %swap3A_618, %swap3A_619, %swap3A_620] {strides = array<i32>} : memref<8x2x8x128xf32, #tpu.memory_space<vmem>>, vector<16xf32>,
      tpu.vector_store %arg7[%swap3A_617, %swap3A_618, %swap3A_619, %swap3A_620], %gather3A_583 {strides = array<i32>} : memref<8x2x8x128xf32, #tpu.memory_space<vmem>>, vector<16xf32>,
      %swap3A_622 = arith.constant 1 : i32
      %swap3A_623 = arith.constant 0 : i32
      %swap3A_624 = arith.index_cast %rem3A_15 : i32 to index
      %swap3A_625 = arith.index_cast %swap3A_622 : i32 to index
      %swap3A_626 = arith.index_cast %swap3A_623 : i32 to index
      %swap3A_627 = arith.constant 80 : index
      %swap3A_628 = tpu.vector_load %arg7[%swap3A_624, %swap3A_625, %swap3A_626, %swap3A_627] {strides = array<i32>} : memref<8x2x8x128xf32, #tpu.memory_space<vmem>>, vector<16xf32>,
      tpu.vector_store %arg7[%swap3A_624, %swap3A_625, %swap3A_626, %swap3A_627], %gather3A_584 {strides = array<i32>} : memref<8x2x8x128xf32, #tpu.memory_space<vmem>>, vector<16xf32>,
      %swap3A_629 = arith.constant 1 : i32
      %swap3A_630 = arith.constant 0 : i32
      %swap3A_631 = arith.index_cast %rem3A_15 : i32 to index
      %swap3A_632 = arith.index_cast %swap3A_629 : i32 to index
      %swap3A_633 = arith.index_cast %swap3A_630 : i32 to index
      %swap3A_634 = arith.constant 96 : index
      %swap3A_635 = tpu.vector_load %arg7[%swap3A_631, %swap3A_632, %swap3A_633, %swap3A_634] {strides = array<i32>} : memref<8x2x8x128xf32, #tpu.memory_space<vmem>>, vector<16xf32>,
      tpu.vector_store %arg7[%swap3A_631, %swap3A_632, %swap3A_633, %swap3A_634], %gather3A_585 {strides = array<i32>} : memref<8x2x8x128xf32, #tpu.memory_space<vmem>>, vector<16xf32>,
      %swap3A_636 = arith.constant 1 : i32
      %swap3A_637 = arith.constant 0 : i32
      %swap3A_638 = arith.index_cast %rem3A_15 : i32 to index
      %swap3A_639 = arith.index_cast %swap3A_636 : i32 to index
      %swap3A_640 = arith.index_cast %swap3A_637 : i32 to index
      %swap3A_641 = arith.constant 112 : index
      %swap3A_642 = tpu.vector_load %arg7[%swap3A_638, %swap3A_639, %swap3A_640, %swap3A_641] {strides = array<i32>} : memref<8x2x8x128xf32, #tpu.memory_space<vmem>>, vector<16xf32>,
      tpu.vector_store %arg7[%swap3A_638, %swap3A_639, %swap3A_640, %swap3A_641], %gather3A_586 {strides = array<i32>} : memref<8x2x8x128xf32, #tpu.memory_space<vmem>>, vector<16xf32>,
      %broadcast_in_dim3A_643 = arith.constant 9 : i32
      %broadcast_in_dim3A_644 = vector.broadcast %broadcast_in_dim3A_643 : i32 to vector<16xi32>
      %gather3A_645 = tpu.vector_load_idx %arg6[%broadcast_in_dim3A_644, %get3A_23] : memref<16x1002xf32, #tpu.memory_space<vmem>>[vector<16xi32>, vector<16xi32>], vector<16xf32>,
      %gather3A_646 = tpu.vector_load_idx %arg6[%broadcast_in_dim3A_644, %get3A_27] : memref<16x1002xf32, #tpu.memory_space<vmem>>[vector<16xi32>, vector<16xi32>], vector<16xf32>,
      %gather3A_647 = tpu.vector_load_idx %arg6[%broadcast_in_dim3A_644, %get3A_31] : memref<16x1002xf32, #tpu.memory_space<vmem>>[vector<16xi32>, vector<16xi32>], vector<16xf32>,
      %gather3A_648 = tpu.vector_load_idx %arg6[%broadcast_in_dim3A_644, %get3A_35] : memref<16x1002xf32, #tpu.memory_space<vmem>>[vector<16xi32>, vector<16xi32>], vector<16xf32>,
      %gather3A_649 = tpu.vector_load_idx %arg6[%broadcast_in_dim3A_644, %get3A_39] : memref<16x1002xf32, #tpu.memory_space<vmem>>[vector<16xi32>, vector<16xi32>], vector<16xf32>,
      %gather3A_650 = tpu.vector_load_idx %arg6[%broadcast_in_dim3A_644, %get3A_43] : memref<16x1002xf32, #tpu.memory_space<vmem>>[vector<16xi32>, vector<16xi32>], vector<16xf32>,
      %gather3A_651 = tpu.vector_load_idx %arg6[%broadcast_in_dim3A_644, %get3A_47] : memref<16x1002xf32, #tpu.memory_space<vmem>>[vector<16xi32>, vector<16xi32>], vector<16xf32>,
      %gather3A_652 = tpu.vector_load_idx %arg6[%broadcast_in_dim3A_644, %get3A_51] : memref<16x1002xf32, #tpu.memory_space<vmem>>[vector<16xi32>, vector<16xi32>], vector<16xf32>,
      %swap3A_653 = arith.constant 1 : i32
      %swap3A_654 = arith.constant 1 : i32
      %swap3A_655 = arith.index_cast %rem3A_15 : i32 to index
      %swap3A_656 = arith.index_cast %swap3A_653 : i32 to index
      %swap3A_657 = arith.index_cast %swap3A_654 : i32 to index
      %swap3A_658 = arith.constant 0 : index
      %swap3A_659 = tpu.vector_load %arg7[%swap3A_655, %swap3A_656, %swap3A_657, %swap3A_658] {strides = array<i32>} : memref<8x2x8x128xf32, #tpu.memory_space<vmem>>, vector<16xf32>,
      tpu.vector_store %arg7[%swap3A_655, %swap3A_656, %swap3A_657, %swap3A_658], %gather3A_645 {strides = array<i32>} : memref<8x2x8x128xf32, #tpu.memory_space<vmem>>, vector<16xf32>,
      %swap3A_660 = arith.constant 1 : i32
      %swap3A_661 = arith.constant 1 : i32
      %swap3A_662 = arith.index_cast %rem3A_15 : i32 to index
      %swap3A_663 = arith.index_cast %swap3A_660 : i32 to index
      %swap3A_664 = arith.index_cast %swap3A_661 : i32 to index
      %swap3A_665 = arith.constant 16 : index
      %swap3A_666 = tpu.vector_load %arg7[%swap3A_662, %swap3A_663, %swap3A_664, %swap3A_665] {strides = array<i32>} : memref<8x2x8x128xf32, #tpu.memory_space<vmem>>, vector<16xf32>,
      tpu.vector_store %arg7[%swap3A_662, %swap3A_663, %swap3A_664, %swap3A_665], %gather3A_646 {strides = array<i32>} : memref<8x2x8x128xf32, #tpu.memory_space<vmem>>, vector<16xf32>,
      %swap3A_667 = arith.constant 1 : i32
      %swap3A_668 = arith.constant 1 : i32
      %swap3A_669 = arith.index_cast %rem3A_15 : i32 to index
      %swap3A_670 = arith.index_cast %swap3A_667 : i32 to index
      %swap3A_671 = arith.index_cast %swap3A_668 : i32 to index
      %swap3A_672 = arith.constant 32 : index
      %swap3A_673 = tpu.vector_load %arg7[%swap3A_669, %swap3A_670, %swap3A_671, %swap3A_672] {strides = array<i32>} : memref<8x2x8x128xf32, #tpu.memory_space<vmem>>, vector<16xf32>,
      tpu.vector_store %arg7[%swap3A_669, %swap3A_670, %swap3A_671, %swap3A_672], %gather3A_647 {strides = array<i32>} : memref<8x2x8x128xf32, #tpu.memory_space<vmem>>, vector<16xf32>,
      %swap3A_674 = arith.constant 1 : i32
      %swap3A_675 = arith.constant 1 : i32
      %swap3A_676 = arith.index_cast %rem3A_15 : i32 to index
      %swap3A_677 = arith.index_cast %swap3A_674 : i32 to index
      %swap3A_678 = arith.index_cast %swap3A_675 : i32 to index
      %swap3A_679 = arith.constant 48 : index
      %swap3A_680 = tpu.vector_load %arg7[%swap3A_676, %swap3A_677, %swap3A_678, %swap3A_679] {strides = array<i32>} : memref<8x2x8x128xf32, #tpu.memory_space<vmem>>, vector<16xf32>,
      tpu.vector_store %arg7[%swap3A_676, %swap3A_677, %swap3A_678, %swap3A_679], %gather3A_648 {strides = array<i32>} : memref<8x2x8x128xf32, #tpu.memory_space<vmem>>, vector<16xf32>,
      %swap3A_681 = arith.constant 1 : i32
      %swap3A_682 = arith.constant 1 : i32
      %swap3A_683 = arith.index_cast %rem3A_15 : i32 to index
      %swap3A_684 = arith.index_cast %swap3A_681 : i32 to index
      %swap3A_685 = arith.index_cast %swap3A_682 : i32 to index
      %swap3A_686 = arith.constant 64 : index
      %swap3A_687 = tpu.vector_load %arg7[%swap3A_683, %swap3A_684, %swap3A_685, %swap3A_686] {strides = array<i32>} : memref<8x2x8x128xf32, #tpu.memory_space<vmem>>, vector<16xf32>,
      tpu.vector_store %arg7[%swap3A_683, %swap3A_684, %swap3A_685, %swap3A_686], %gather3A_649 {strides = array<i32>} : memref<8x2x8x128xf32, #tpu.memory_space<vmem>>, vector<16xf32>,
      %swap3A_688 = arith.constant 1 : i32
      %swap3A_689 = arith.constant 1 : i32
      %swap3A_690 = arith.index_cast %rem3A_15 : i32 to index
      %swap3A_691 = arith.index_cast %swap3A_688 : i32 to index
      %swap3A_692 = arith.index_cast %swap3A_689 : i32 to index
      %swap3A_693 = arith.constant 80 : index
      %swap3A_694 = tpu.vector_load %arg7[%swap3A_690, %swap3A_691, %swap3A_692, %swap3A_693] {strides = array<i32>} : memref<8x2x8x128xf32, #tpu.memory_space<vmem>>, vector<16xf32>,
      tpu.vector_store %arg7[%swap3A_690, %swap3A_691, %swap3A_692, %swap3A_693], %gather3A_650 {strides = array<i32>} : memref<8x2x8x128xf32, #tpu.memory_space<vmem>>, vector<16xf32>,
      %swap3A_695 = arith.constant 1 : i32
      %swap3A_696 = arith.constant 1 : i32
      %swap3A_697 = arith.index_cast %rem3A_15 : i32 to index
      %swap3A_698 = arith.index_cast %swap3A_695 : i32 to index
      %swap3A_699 = arith.index_cast %swap3A_696 : i32 to index
      %swap3A_700 = arith.constant 96 : index
      %swap3A_701 = tpu.vector_load %arg7[%swap3A_697, %swap3A_698, %swap3A_699, %swap3A_700] {strides = array<i32>} : memref<8x2x8x128xf32, #tpu.memory_space<vmem>>, vector<16xf32>,
      tpu.vector_store %arg7[%swap3A_697, %swap3A_698, %swap3A_699, %swap3A_700], %gather3A_651 {strides = array<i32>} : memref<8x2x8x128xf32, #tpu.memory_space<vmem>>, vector<16xf32>,
      %swap3A_702 = arith.constant 1 : i32
      %swap3A_703 = arith.constant 1 : i32
      %swap3A_704 = arith.index_cast %rem3A_15 : i32 to index
      %swap3A_705 = arith.index_cast %swap3A_702 : i32 to index
      %swap3A_706 = arith.index_cast %swap3A_703 : i32 to index
      %swap3A_707 = arith.constant 112 : index
      %swap3A_708 = tpu.vector_load %arg7[%swap3A_704, %swap3A_705, %swap3A_706, %swap3A_707] {strides = array<i32>} : memref<8x2x8x128xf32, #tpu.memory_space<vmem>>, vector<16xf32>,
      tpu.vector_store %arg7[%swap3A_704, %swap3A_705, %swap3A_706, %swap3A_707], %gather3A_652 {strides = array<i32>} : memref<8x2x8x128xf32, #tpu.memory_space<vmem>>, vector<16xf32>,
      %broadcast_in_dim3A_709 = arith.constant 10 : i32
      %broadcast_in_dim3A_710 = vector.broadcast %broadcast_in_dim3A_709 : i32 to vector<16xi32>
      %gather3A_711 = tpu.vector_load_idx %arg6[%broadcast_in_dim3A_710, %get3A_23] : memref<16x1002xf32, #tpu.memory_space<vmem>>[vector<16xi32>, vector<16xi32>], vector<16xf32>,
      %gather3A_712 = tpu.vector_load_idx %arg6[%broadcast_in_dim3A_710, %get3A_27] : memref<16x1002xf32, #tpu.memory_space<vmem>>[vector<16xi32>, vector<16xi32>], vector<16xf32>,
      %gather3A_713 = tpu.vector_load_idx %arg6[%broadcast_in_dim3A_710, %get3A_31] : memref<16x1002xf32, #tpu.memory_space<vmem>>[vector<16xi32>, vector<16xi32>], vector<16xf32>,
      %gather3A_714 = tpu.vector_load_idx %arg6[%broadcast_in_dim3A_710, %get3A_35] : memref<16x1002xf32, #tpu.memory_space<vmem>>[vector<16xi32>, vector<16xi32>], vector<16xf32>,
      %gather3A_715 = tpu.vector_load_idx %arg6[%broadcast_in_dim3A_710, %get3A_39] : memref<16x1002xf32, #tpu.memory_space<vmem>>[vector<16xi32>, vector<16xi32>], vector<16xf32>,
      %gather3A_716 = tpu.vector_load_idx %arg6[%broadcast_in_dim3A_710, %get3A_43] : memref<16x1002xf32, #tpu.memory_space<vmem>>[vector<16xi32>, vector<16xi32>], vector<16xf32>,
      %gather3A_717 = tpu.vector_load_idx %arg6[%broadcast_in_dim3A_710, %get3A_47] : memref<16x1002xf32, #tpu.memory_space<vmem>>[vector<16xi32>, vector<16xi32>], vector<16xf32>,
      %gather3A_718 = tpu.vector_load_idx %arg6[%broadcast_in_dim3A_710, %get3A_51] : memref<16x1002xf32, #tpu.memory_space<vmem>>[vector<16xi32>, vector<16xi32>], vector<16xf32>,
      %swap3A_719 = arith.constant 1 : i32
      %swap3A_720 = arith.constant 2 : i32
      %swap3A_721 = arith.index_cast %rem3A_15 : i32 to index
      %swap3A_722 = arith.index_cast %swap3A_719 : i32 to index
      %swap3A_723 = arith.index_cast %swap3A_720 : i32 to index
      %swap3A_724 = arith.constant 0 : index
      %swap3A_725 = tpu.vector_load %arg7[%swap3A_721, %swap3A_722, %swap3A_723, %swap3A_724] {strides = array<i32>} : memref<8x2x8x128xf32, #tpu.memory_space<vmem>>, vector<16xf32>,
      tpu.vector_store %arg7[%swap3A_721, %swap3A_722, %swap3A_723, %swap3A_724], %gather3A_711 {strides = array<i32>} : memref<8x2x8x128xf32, #tpu.memory_space<vmem>>, vector<16xf32>,
      %swap3A_726 = arith.constant 1 : i32
      %swap3A_727 = arith.constant 2 : i32
      %swap3A_728 = arith.index_cast %rem3A_15 : i32 to index
      %swap3A_729 = arith.index_cast %swap3A_726 : i32 to index
      %swap3A_730 = arith.index_cast %swap3A_727 : i32 to index
      %swap3A_731 = arith.constant 16 : index
      %swap3A_732 = tpu.vector_load %arg7[%swap3A_728, %swap3A_729, %swap3A_730, %swap3A_731] {strides = array<i32>} : memref<8x2x8x128xf32, #tpu.memory_space<vmem>>, vector<16xf32>,
      tpu.vector_store %arg7[%swap3A_728, %swap3A_729, %swap3A_730, %swap3A_731], %gather3A_712 {strides = array<i32>} : memref<8x2x8x128xf32, #tpu.memory_space<vmem>>, vector<16xf32>,
      %swap3A_733 = arith.constant 1 : i32
      %swap3A_734 = arith.constant 2 : i32
      %swap3A_735 = arith.index_cast %rem3A_15 : i32 to index
      %swap3A_736 = arith.index_cast %swap3A_733 : i32 to index
      %swap3A_737 = arith.index_cast %swap3A_734 : i32 to index
      %swap3A_738 = arith.constant 32 : index
      %swap3A_739 = tpu.vector_load %arg7[%swap3A_735, %swap3A_736, %swap3A_737, %swap3A_738] {strides = array<i32>} : memref<8x2x8x128xf32, #tpu.memory_space<vmem>>, vector<16xf32>,
      tpu.vector_store %arg7[%swap3A_735, %swap3A_736, %swap3A_737, %swap3A_738], %gather3A_713 {strides = array<i32>} : memref<8x2x8x128xf32, #tpu.memory_space<vmem>>, vector<16xf32>,
      %swap3A_740 = arith.constant 1 : i32
      %swap3A_741 = arith.constant 2 : i32
      %swap3A_742 = arith.index_cast %rem3A_15 : i32 to index
      %swap3A_743 = arith.index_cast %swap3A_740 : i32 to index
      %swap3A_744 = arith.index_cast %swap3A_741 : i32 to index
      %swap3A_745 = arith.constant 48 : index
      %swap3A_746 = tpu.vector_load %arg7[%swap3A_742, %swap3A_743, %swap3A_744, %swap3A_745] {strides = array<i32>} : memref<8x2x8x128xf32, #tpu.memory_space<vmem>>, vector<16xf32>,
      tpu.vector_store %arg7[%swap3A_742, %swap3A_743, %swap3A_744, %swap3A_745], %gather3A_714 {strides = array<i32>} : memref<8x2x8x128xf32, #tpu.memory_space<vmem>>, vector<16xf32>,
      %swap3A_747 = arith.constant 1 : i32
      %swap3A_748 = arith.constant 2 : i32
      %swap3A_749 = arith.index_cast %rem3A_15 : i32 to index
      %swap3A_750 = arith.index_cast %swap3A_747 : i32 to index
      %swap3A_751 = arith.index_cast %swap3A_748 : i32 to index
      %swap3A_752 = arith.constant 64 : index
      %swap3A_753 = tpu.vector_load %arg7[%swap3A_749, %swap3A_750, %swap3A_751, %swap3A_752] {strides = array<i32>} : memref<8x2x8x128xf32, #tpu.memory_space<vmem>>, vector<16xf32>,
      tpu.vector_store %arg7[%swap3A_749, %swap3A_750, %swap3A_751, %swap3A_752], %gather3A_715 {strides = array<i32>} : memref<8x2x8x128xf32, #tpu.memory_space<vmem>>, vector<16xf32>,
      %swap3A_754 = arith.constant 1 : i32
      %swap3A_755 = arith.constant 2 : i32
      %swap3A_756 = arith.index_cast %rem3A_15 : i32 to index
      %swap3A_757 = arith.index_cast %swap3A_754 : i32 to index
      %swap3A_758 = arith.index_cast %swap3A_755 : i32 to index
      %swap3A_759 = arith.constant 80 : index
      %swap3A_760 = tpu.vector_load %arg7[%swap3A_756, %swap3A_757, %swap3A_758, %swap3A_759] {strides = array<i32>} : memref<8x2x8x128xf32, #tpu.memory_space<vmem>>, vector<16xf32>,
      tpu.vector_store %arg7[%swap3A_756, %swap3A_757, %swap3A_758, %swap3A_759], %gather3A_716 {strides = array<i32>} : memref<8x2x8x128xf32, #tpu.memory_space<vmem>>, vector<16xf32>,
      %swap3A_761 = arith.constant 1 : i32
      %swap3A_762 = arith.constant 2 : i32
      %swap3A_763 = arith.index_cast %rem3A_15 : i32 to index
      %swap3A_764 = arith.index_cast %swap3A_761 : i32 to index
      %swap3A_765 = arith.index_cast %swap3A_762 : i32 to index
      %swap3A_766 = arith.constant 96 : index
      %swap3A_767 = tpu.vector_load %arg7[%swap3A_763, %swap3A_764, %swap3A_765, %swap3A_766] {strides = array<i32>} : memref<8x2x8x128xf32, #tpu.memory_space<vmem>>, vector<16xf32>,
      tpu.vector_store %arg7[%swap3A_763, %swap3A_764, %swap3A_765, %swap3A_766], %gather3A_717 {strides = array<i32>} : memref<8x2x8x128xf32, #tpu.memory_space<vmem>>, vector<16xf32>,
      %swap3A_768 = arith.constant 1 : i32
      %swap3A_769 = arith.constant 2 : i32
      %swap3A_770 = arith.index_cast %rem3A_15 : i32 to index
      %swap3A_771 = arith.index_cast %swap3A_768 : i32 to index
      %swap3A_772 = arith.index_cast %swap3A_769 : i32 to index
      %swap3A_773 = arith.constant 112 : index
      %swap3A_774 = tpu.vector_load %arg7[%swap3A_770, %swap3A_771, %swap3A_772, %swap3A_773] {strides = array<i32>} : memref<8x2x8x128xf32, #tpu.memory_space<vmem>>, vector<16xf32>,
      tpu.vector_store %arg7[%swap3A_770, %swap3A_771, %swap3A_772, %swap3A_773], %gather3A_718 {strides = array<i32>} : memref<8x2x8x128xf32, #tpu.memory_space<vmem>>, vector<16xf32>,
      %broadcast_in_dim3A_775 = arith.constant 11 : i32
      %broadcast_in_dim3A_776 = vector.broadcast %broadcast_in_dim3A_775 : i32 to vector<16xi32>
      %gather3A_777 = tpu.vector_load_idx %arg6[%broadcast_in_dim3A_776, %get3A_23] : memref<16x1002xf32, #tpu.memory_space<vmem>>[vector<16xi32>, vector<16xi32>], vector<16xf32>,
      %gather3A_778 = tpu.vector_load_idx %arg6[%broadcast_in_dim3A_776, %get3A_27] : memref<16x1002xf32, #tpu.memory_space<vmem>>[vector<16xi32>, vector<16xi32>], vector<16xf32>,
      %gather3A_779 = tpu.vector_load_idx %arg6[%broadcast_in_dim3A_776, %get3A_31] : memref<16x1002xf32, #tpu.memory_space<vmem>>[vector<16xi32>, vector<16xi32>], vector<16xf32>,
      %gather3A_780 = tpu.vector_load_idx %arg6[%broadcast_in_dim3A_776, %get3A_35] : memref<16x1002xf32, #tpu.memory_space<vmem>>[vector<16xi32>, vector<16xi32>], vector<16xf32>,
      %gather3A_781 = tpu.vector_load_idx %arg6[%broadcast_in_dim3A_776, %get3A_39] : memref<16x1002xf32, #tpu.memory_space<vmem>>[vector<16xi32>, vector<16xi32>], vector<16xf32>,
      %gather3A_782 = tpu.vector_load_idx %arg6[%broadcast_in_dim3A_776, %get3A_43] : memref<16x1002xf32, #tpu.memory_space<vmem>>[vector<16xi32>, vector<16xi32>], vector<16xf32>,
      %gather3A_783 = tpu.vector_load_idx %arg6[%broadcast_in_dim3A_776, %get3A_47] : memref<16x1002xf32, #tpu.memory_space<vmem>>[vector<16xi32>, vector<16xi32>], vector<16xf32>,
      %gather3A_784 = tpu.vector_load_idx %arg6[%broadcast_in_dim3A_776, %get3A_51] : memref<16x1002xf32, #tpu.memory_space<vmem>>[vector<16xi32>, vector<16xi32>], vector<16xf32>,
      %swap3A_785 = arith.constant 1 : i32
      %swap3A_786 = arith.constant 3 : i32
      %swap3A_787 = arith.index_cast %rem3A_15 : i32 to index
      %swap3A_788 = arith.index_cast %swap3A_785 : i32 to index
      %swap3A_789 = arith.index_cast %swap3A_786 : i32 to index
      %swap3A_790 = arith.constant 0 : index
      %swap3A_791 = tpu.vector_load %arg7[%swap3A_787, %swap3A_788, %swap3A_789, %swap3A_790] {strides = array<i32>} : memref<8x2x8x128xf32, #tpu.memory_space<vmem>>, vector<16xf32>,
      tpu.vector_store %arg7[%swap3A_787, %swap3A_788, %swap3A_789, %swap3A_790], %gather3A_777 {strides = array<i32>} : memref<8x2x8x128xf32, #tpu.memory_space<vmem>>, vector<16xf32>,
      %swap3A_792 = arith.constant 1 : i32
      %swap3A_793 = arith.constant 3 : i32
      %swap3A_794 = arith.index_cast %rem3A_15 : i32 to index
      %swap3A_795 = arith.index_cast %swap3A_792 : i32 to index
      %swap3A_796 = arith.index_cast %swap3A_793 : i32 to index
      %swap3A_797 = arith.constant 16 : index
      %swap3A_798 = tpu.vector_load %arg7[%swap3A_794, %swap3A_795, %swap3A_796, %swap3A_797] {strides = array<i32>} : memref<8x2x8x128xf32, #tpu.memory_space<vmem>>, vector<16xf32>,
      tpu.vector_store %arg7[%swap3A_794, %swap3A_795, %swap3A_796, %swap3A_797], %gather3A_778 {strides = array<i32>} : memref<8x2x8x128xf32, #tpu.memory_space<vmem>>, vector<16xf32>,
      %swap3A_799 = arith.constant 1 : i32
      %swap3A_800 = arith.constant 3 : i32
      %swap3A_801 = arith.index_cast %rem3A_15 : i32 to index
      %swap3A_802 = arith.index_cast %swap3A_799 : i32 to index
      %swap3A_803 = arith.index_cast %swap3A_800 : i32 to index
      %swap3A_804 = arith.constant 32 : index
      %swap3A_805 = tpu.vector_load %arg7[%swap3A_801, %swap3A_802, %swap3A_803, %swap3A_804] {strides = array<i32>} : memref<8x2x8x128xf32, #tpu.memory_space<vmem>>, vector<16xf32>,
      tpu.vector_store %arg7[%swap3A_801, %swap3A_802, %swap3A_803, %swap3A_804], %gather3A_779 {strides = array<i32>} : memref<8x2x8x128xf32, #tpu.memory_space<vmem>>, vector<16xf32>,
      %swap3A_806 = arith.constant 1 : i32
      %swap3A_807 = arith.constant 3 : i32
      %swap3A_808 = arith.index_cast %rem3A_15 : i32 to index
      %swap3A_809 = arith.index_cast %swap3A_806 : i32 to index
      %swap3A_810 = arith.index_cast %swap3A_807 : i32 to index
      %swap3A_811 = arith.constant 48 : index
      %swap3A_812 = tpu.vector_load %arg7[%swap3A_808, %swap3A_809, %swap3A_810, %swap3A_811] {strides = array<i32>} : memref<8x2x8x128xf32, #tpu.memory_space<vmem>>, vector<16xf32>,
      tpu.vector_store %arg7[%swap3A_808, %swap3A_809, %swap3A_810, %swap3A_811], %gather3A_780 {strides = array<i32>} : memref<8x2x8x128xf32, #tpu.memory_space<vmem>>, vector<16xf32>,
      %swap3A_813 = arith.constant 1 : i32
      %swap3A_814 = arith.constant 3 : i32
      %swap3A_815 = arith.index_cast %rem3A_15 : i32 to index
      %swap3A_816 = arith.index_cast %swap3A_813 : i32 to index
      %swap3A_817 = arith.index_cast %swap3A_814 : i32 to index
      %swap3A_818 = arith.constant 64 : index
      %swap3A_819 = tpu.vector_load %arg7[%swap3A_815, %swap3A_816, %swap3A_817, %swap3A_818] {strides = array<i32>} : memref<8x2x8x128xf32, #tpu.memory_space<vmem>>, vector<16xf32>,
      tpu.vector_store %arg7[%swap3A_815, %swap3A_816, %swap3A_817, %swap3A_818], %gather3A_781 {strides = array<i32>} : memref<8x2x8x128xf32, #tpu.memory_space<vmem>>, vector<16xf32>,
      %swap3A_820 = arith.constant 1 : i32
      %swap3A_821 = arith.constant 3 : i32
      %swap3A_822 = arith.index_cast %rem3A_15 : i32 to index
      %swap3A_823 = arith.index_cast %swap3A_820 : i32 to index
      %swap3A_824 = arith.index_cast %swap3A_821 : i32 to index
      %swap3A_825 = arith.constant 80 : index
      %swap3A_826 = tpu.vector_load %arg7[%swap3A_822, %swap3A_823, %swap3A_824, %swap3A_825] {strides = array<i32>} : memref<8x2x8x128xf32, #tpu.memory_space<vmem>>, vector<16xf32>,
      tpu.vector_store %arg7[%swap3A_822, %swap3A_823, %swap3A_824, %swap3A_825], %gather3A_782 {strides = array<i32>} : memref<8x2x8x128xf32, #tpu.memory_space<vmem>>, vector<16xf32>,
      %swap3A_827 = arith.constant 1 : i32
      %swap3A_828 = arith.constant 3 : i32
      %swap3A_829 = arith.index_cast %rem3A_15 : i32 to index
      %swap3A_830 = arith.index_cast %swap3A_827 : i32 to index
      %swap3A_831 = arith.index_cast %swap3A_828 : i32 to index
      %swap3A_832 = arith.constant 96 : index
      %swap3A_833 = tpu.vector_load %arg7[%swap3A_829, %swap3A_830, %swap3A_831, %swap3A_832] {strides = array<i32>} : memref<8x2x8x128xf32, #tpu.memory_space<vmem>>, vector<16xf32>,
      tpu.vector_store %arg7[%swap3A_829, %swap3A_830, %swap3A_831, %swap3A_832], %gather3A_783 {strides = array<i32>} : memref<8x2x8x128xf32, #tpu.memory_space<vmem>>, vector<16xf32>,
      %swap3A_834 = arith.constant 1 : i32
      %swap3A_835 = arith.constant 3 : i32
      %swap3A_836 = arith.index_cast %rem3A_15 : i32 to index
      %swap3A_837 = arith.index_cast %swap3A_834 : i32 to index
      %swap3A_838 = arith.index_cast %swap3A_835 : i32 to index
      %swap3A_839 = arith.constant 112 : index
      %swap3A_840 = tpu.vector_load %arg7[%swap3A_836, %swap3A_837, %swap3A_838, %swap3A_839] {strides = array<i32>} : memref<8x2x8x128xf32, #tpu.memory_space<vmem>>, vector<16xf32>,
      tpu.vector_store %arg7[%swap3A_836, %swap3A_837, %swap3A_838, %swap3A_839], %gather3A_784 {strides = array<i32>} : memref<8x2x8x128xf32, #tpu.memory_space<vmem>>, vector<16xf32>,
      %broadcast_in_dim3A_841 = arith.constant 12 : i32
      %broadcast_in_dim3A_842 = vector.broadcast %broadcast_in_dim3A_841 : i32 to vector<16xi32>
      %gather3A_843 = tpu.vector_load_idx %arg6[%broadcast_in_dim3A_842, %get3A_23] : memref<16x1002xf32, #tpu.memory_space<vmem>>[vector<16xi32>, vector<16xi32>], vector<16xf32>,
      %gather3A_844 = tpu.vector_load_idx %arg6[%broadcast_in_dim3A_842, %get3A_27] : memref<16x1002xf32, #tpu.memory_space<vmem>>[vector<16xi32>, vector<16xi32>], vector<16xf32>,
      %gather3A_845 = tpu.vector_load_idx %arg6[%broadcast_in_dim3A_842, %get3A_31] : memref<16x1002xf32, #tpu.memory_space<vmem>>[vector<16xi32>, vector<16xi32>], vector<16xf32>,
      %gather3A_846 = tpu.vector_load_idx %arg6[%broadcast_in_dim3A_842, %get3A_35] : memref<16x1002xf32, #tpu.memory_space<vmem>>[vector<16xi32>, vector<16xi32>], vector<16xf32>,
      %gather3A_847 = tpu.vector_load_idx %arg6[%broadcast_in_dim3A_842, %get3A_39] : memref<16x1002xf32, #tpu.memory_space<vmem>>[vector<16xi32>, vector<16xi32>], vector<16xf32>,
      %gather3A_848 = tpu.vector_load_idx %arg6[%broadcast_in_dim3A_842, %get3A_43] : memref<16x1002xf32, #tpu.memory_space<vmem>>[vector<16xi32>, vector<16xi32>], vector<16xf32>,
      %gather3A_849 = tpu.vector_load_idx %arg6[%broadcast_in_dim3A_842, %get3A_47] : memref<16x1002xf32, #tpu.memory_space<vmem>>[vector<16xi32>, vector<16xi32>], vector<16xf32>,
      %gather3A_850 = tpu.vector_load_idx %arg6[%broadcast_in_dim3A_842, %get3A_51] : memref<16x1002xf32, #tpu.memory_space<vmem>>[vector<16xi32>, vector<16xi32>], vector<16xf32>,
      %swap3A_851 = arith.constant 1 : i32
      %swap3A_852 = arith.constant 4 : i32
      %swap3A_853 = arith.index_cast %rem3A_15 : i32 to index
      %swap3A_854 = arith.index_cast %swap3A_851 : i32 to index
      %swap3A_855 = arith.index_cast %swap3A_852 : i32 to index
      %swap3A_856 = arith.constant 0 : index
      %swap3A_857 = tpu.vector_load %arg7[%swap3A_853, %swap3A_854, %swap3A_855, %swap3A_856] {strides = array<i32>} : memref<8x2x8x128xf32, #tpu.memory_space<vmem>>, vector<16xf32>,
      tpu.vector_store %arg7[%swap3A_853, %swap3A_854, %swap3A_855, %swap3A_856], %gather3A_843 {strides = array<i32>} : memref<8x2x8x128xf32, #tpu.memory_space<vmem>>, vector<16xf32>,
      %swap3A_858 = arith.constant 1 : i32
      %swap3A_859 = arith.constant 4 : i32
      %swap3A_860 = arith.index_cast %rem3A_15 : i32 to index
      %swap3A_861 = arith.index_cast %swap3A_858 : i32 to index
      %swap3A_862 = arith.index_cast %swap3A_859 : i32 to index
      %swap3A_863 = arith.constant 16 : index
      %swap3A_864 = tpu.vector_load %arg7[%swap3A_860, %swap3A_861, %swap3A_862, %swap3A_863] {strides = array<i32>} : memref<8x2x8x128xf32, #tpu.memory_space<vmem>>, vector<16xf32>,
      tpu.vector_store %arg7[%swap3A_860, %swap3A_861, %swap3A_862, %swap3A_863], %gather3A_844 {strides = array<i32>} : memref<8x2x8x128xf32, #tpu.memory_space<vmem>>, vector<16xf32>,
      %swap3A_865 = arith.constant 1 : i32
      %swap3A_866 = arith.constant 4 : i32
      %swap3A_867 = arith.index_cast %rem3A_15 : i32 to index
      %swap3A_868 = arith.index_cast %swap3A_865 : i32 to index
      %swap3A_869 = arith.index_cast %swap3A_866 : i32 to index
      %swap3A_870 = arith.constant 32 : index
      %swap3A_871 = tpu.vector_load %arg7[%swap3A_867, %swap3A_868, %swap3A_869, %swap3A_870] {strides = array<i32>} : memref<8x2x8x128xf32, #tpu.memory_space<vmem>>, vector<16xf32>,
      tpu.vector_store %arg7[%swap3A_867, %swap3A_868, %swap3A_869, %swap3A_870], %gather3A_845 {strides = array<i32>} : memref<8x2x8x128xf32, #tpu.memory_space<vmem>>, vector<16xf32>,
      %swap3A_872 = arith.constant 1 : i32
      %swap3A_873 = arith.constant 4 : i32
      %swap3A_874 = arith.index_cast %rem3A_15 : i32 to index
      %swap3A_875 = arith.index_cast %swap3A_872 : i32 to index
      %swap3A_876 = arith.index_cast %swap3A_873 : i32 to index
      %swap3A_877 = arith.constant 48 : index
      %swap3A_878 = tpu.vector_load %arg7[%swap3A_874, %swap3A_875, %swap3A_876, %swap3A_877] {strides = array<i32>} : memref<8x2x8x128xf32, #tpu.memory_space<vmem>>, vector<16xf32>,
      tpu.vector_store %arg7[%swap3A_874, %swap3A_875, %swap3A_876, %swap3A_877], %gather3A_846 {strides = array<i32>} : memref<8x2x8x128xf32, #tpu.memory_space<vmem>>, vector<16xf32>,
      %swap3A_879 = arith.constant 1 : i32
      %swap3A_880 = arith.constant 4 : i32
      %swap3A_881 = arith.index_cast %rem3A_15 : i32 to index
      %swap3A_882 = arith.index_cast %swap3A_879 : i32 to index
      %swap3A_883 = arith.index_cast %swap3A_880 : i32 to index
      %swap3A_884 = arith.constant 64 : index
      %swap3A_885 = tpu.vector_load %arg7[%swap3A_881, %swap3A_882, %swap3A_883, %swap3A_884] {strides = array<i32>} : memref<8x2x8x128xf32, #tpu.memory_space<vmem>>, vector<16xf32>,
      tpu.vector_store %arg7[%swap3A_881, %swap3A_882, %swap3A_883, %swap3A_884], %gather3A_847 {strides = array<i32>} : memref<8x2x8x128xf32, #tpu.memory_space<vmem>>, vector<16xf32>,
      %swap3A_886 = arith.constant 1 : i32
      %swap3A_887 = arith.constant 4 : i32
      %swap3A_888 = arith.index_cast %rem3A_15 : i32 to index
      %swap3A_889 = arith.index_cast %swap3A_886 : i32 to index
      %swap3A_890 = arith.index_cast %swap3A_887 : i32 to index
      %swap3A_891 = arith.constant 80 : index
      %swap3A_892 = tpu.vector_load %arg7[%swap3A_888, %swap3A_889, %swap3A_890, %swap3A_891] {strides = array<i32>} : memref<8x2x8x128xf32, #tpu.memory_space<vmem>>, vector<16xf32>,
      tpu.vector_store %arg7[%swap3A_888, %swap3A_889, %swap3A_890, %swap3A_891], %gather3A_848 {strides = array<i32>} : memref<8x2x8x128xf32, #tpu.memory_space<vmem>>, vector<16xf32>,
      %swap3A_893 = arith.constant 1 : i32
      %swap3A_894 = arith.constant 4 : i32
      %swap3A_895 = arith.index_cast %rem3A_15 : i32 to index
      %swap3A_896 = arith.index_cast %swap3A_893 : i32 to index
      %swap3A_897 = arith.index_cast %swap3A_894 : i32 to index
      %swap3A_898 = arith.constant 96 : index
      %swap3A_899 = tpu.vector_load %arg7[%swap3A_895, %swap3A_896, %swap3A_897, %swap3A_898] {strides = array<i32>} : memref<8x2x8x128xf32, #tpu.memory_space<vmem>>, vector<16xf32>,
      tpu.vector_store %arg7[%swap3A_895, %swap3A_896, %swap3A_897, %swap3A_898], %gather3A_849 {strides = array<i32>} : memref<8x2x8x128xf32, #tpu.memory_space<vmem>>, vector<16xf32>,
      %swap3A_900 = arith.constant 1 : i32
      %swap3A_901 = arith.constant 4 : i32
      %swap3A_902 = arith.index_cast %rem3A_15 : i32 to index
      %swap3A_903 = arith.index_cast %swap3A_900 : i32 to index
      %swap3A_904 = arith.index_cast %swap3A_901 : i32 to index
      %swap3A_905 = arith.constant 112 : index
      %swap3A_906 = tpu.vector_load %arg7[%swap3A_902, %swap3A_903, %swap3A_904, %swap3A_905] {strides = array<i32>} : memref<8x2x8x128xf32, #tpu.memory_space<vmem>>, vector<16xf32>,
      tpu.vector_store %arg7[%swap3A_902, %swap3A_903, %swap3A_904, %swap3A_905], %gather3A_850 {strides = array<i32>} : memref<8x2x8x128xf32, #tpu.memory_space<vmem>>, vector<16xf32>,
      %broadcast_in_dim3A_907 = arith.constant 13 : i32
      %broadcast_in_dim3A_908 = vector.broadcast %broadcast_in_dim3A_907 : i32 to vector<16xi32>
      %gather3A_909 = tpu.vector_load_idx %arg6[%broadcast_in_dim3A_908, %get3A_23] : memref<16x1002xf32, #tpu.memory_space<vmem>>[vector<16xi32>, vector<16xi32>], vector<16xf32>,
      %gather3A_910 = tpu.vector_load_idx %arg6[%broadcast_in_dim3A_908, %get3A_27] : memref<16x1002xf32, #tpu.memory_space<vmem>>[vector<16xi32>, vector<16xi32>], vector<16xf32>,
      %gather3A_911 = tpu.vector_load_idx %arg6[%broadcast_in_dim3A_908, %get3A_31] : memref<16x1002xf32, #tpu.memory_space<vmem>>[vector<16xi32>, vector<16xi32>], vector<16xf32>,
      %gather3A_912 = tpu.vector_load_idx %arg6[%broadcast_in_dim3A_908, %get3A_35] : memref<16x1002xf32, #tpu.memory_space<vmem>>[vector<16xi32>, vector<16xi32>], vector<16xf32>,
      %gather3A_913 = tpu.vector_load_idx %arg6[%broadcast_in_dim3A_908, %get3A_39] : memref<16x1002xf32, #tpu.memory_space<vmem>>[vector<16xi32>, vector<16xi32>], vector<16xf32>,
      %gather3A_914 = tpu.vector_load_idx %arg6[%broadcast_in_dim3A_908, %get3A_43] : memref<16x1002xf32, #tpu.memory_space<vmem>>[vector<16xi32>, vector<16xi32>], vector<16xf32>,
      %gather3A_915 = tpu.vector_load_idx %arg6[%broadcast_in_dim3A_908, %get3A_47] : memref<16x1002xf32, #tpu.memory_space<vmem>>[vector<16xi32>, vector<16xi32>], vector<16xf32>,
      %gather3A_916 = tpu.vector_load_idx %arg6[%broadcast_in_dim3A_908, %get3A_51] : memref<16x1002xf32, #tpu.memory_space<vmem>>[vector<16xi32>, vector<16xi32>], vector<16xf32>,
      %swap3A_917 = arith.constant 1 : i32
      %swap3A_918 = arith.constant 5 : i32
      %swap3A_919 = arith.index_cast %rem3A_15 : i32 to index
      %swap3A_920 = arith.index_cast %swap3A_917 : i32 to index
      %swap3A_921 = arith.index_cast %swap3A_918 : i32 to index
      %swap3A_922 = arith.constant 0 : index
      %swap3A_923 = tpu.vector_load %arg7[%swap3A_919, %swap3A_920, %swap3A_921, %swap3A_922] {strides = array<i32>} : memref<8x2x8x128xf32, #tpu.memory_space<vmem>>, vector<16xf32>,
      tpu.vector_store %arg7[%swap3A_919, %swap3A_920, %swap3A_921, %swap3A_922], %gather3A_909 {strides = array<i32>} : memref<8x2x8x128xf32, #tpu.memory_space<vmem>>, vector<16xf32>,
      %swap3A_924 = arith.constant 1 : i32
      %swap3A_925 = arith.constant 5 : i32
      %swap3A_926 = arith.index_cast %rem3A_15 : i32 to index
      %swap3A_927 = arith.index_cast %swap3A_924 : i32 to index
      %swap3A_928 = arith.index_cast %swap3A_925 : i32 to index
      %swap3A_929 = arith.constant 16 : index
      %swap3A_930 = tpu.vector_load %arg7[%swap3A_926, %swap3A_927, %swap3A_928, %swap3A_929] {strides = array<i32>} : memref<8x2x8x128xf32, #tpu.memory_space<vmem>>, vector<16xf32>,
      tpu.vector_store %arg7[%swap3A_926, %swap3A_927, %swap3A_928, %swap3A_929], %gather3A_910 {strides = array<i32>} : memref<8x2x8x128xf32, #tpu.memory_space<vmem>>, vector<16xf32>,
      %swap3A_931 = arith.constant 1 : i32
      %swap3A_932 = arith.constant 5 : i32
      %swap3A_933 = arith.index_cast %rem3A_15 : i32 to index
      %swap3A_934 = arith.index_cast %swap3A_931 : i32 to index
      %swap3A_935 = arith.index_cast %swap3A_932 : i32 to index
      %swap3A_936 = arith.constant 32 : index
      %swap3A_937 = tpu.vector_load %arg7[%swap3A_933, %swap3A_934, %swap3A_935, %swap3A_936] {strides = array<i32>} : memref<8x2x8x128xf32, #tpu.memory_space<vmem>>, vector<16xf32>,
      tpu.vector_store %arg7[%swap3A_933, %swap3A_934, %swap3A_935, %swap3A_936], %gather3A_911 {strides = array<i32>} : memref<8x2x8x128xf32, #tpu.memory_space<vmem>>, vector<16xf32>,
      %swap3A_938 = arith.constant 1 : i32
      %swap3A_939 = arith.constant 5 : i32
      %swap3A_940 = arith.index_cast %rem3A_15 : i32 to index
      %swap3A_941 = arith.index_cast %swap3A_938 : i32 to index
      %swap3A_942 = arith.index_cast %swap3A_939 : i32 to index
      %swap3A_943 = arith.constant 48 : index
      %swap3A_944 = tpu.vector_load %arg7[%swap3A_940, %swap3A_941, %swap3A_942, %swap3A_943] {strides = array<i32>} : memref<8x2x8x128xf32, #tpu.memory_space<vmem>>, vector<16xf32>,
      tpu.vector_store %arg7[%swap3A_940, %swap3A_941, %swap3A_942, %swap3A_943], %gather3A_912 {strides = array<i32>} : memref<8x2x8x128xf32, #tpu.memory_space<vmem>>, vector<16xf32>,
      %swap3A_945 = arith.constant 1 : i32
      %swap3A_946 = arith.constant 5 : i32
      %swap3A_947 = arith.index_cast %rem3A_15 : i32 to index
      %swap3A_948 = arith.index_cast %swap3A_945 : i32 to index
      %swap3A_949 = arith.index_cast %swap3A_946 : i32 to index
      %swap3A_950 = arith.constant 64 : index
      %swap3A_951 = tpu.vector_load %arg7[%swap3A_947, %swap3A_948, %swap3A_949, %swap3A_950] {strides = array<i32>} : memref<8x2x8x128xf32, #tpu.memory_space<vmem>>, vector<16xf32>,
      tpu.vector_store %arg7[%swap3A_947, %swap3A_948, %swap3A_949, %swap3A_950], %gather3A_913 {strides = array<i32>} : memref<8x2x8x128xf32, #tpu.memory_space<vmem>>, vector<16xf32>,
      %swap3A_952 = arith.constant 1 : i32
      %swap3A_953 = arith.constant 5 : i32
      %swap3A_954 = arith.index_cast %rem3A_15 : i32 to index
      %swap3A_955 = arith.index_cast %swap3A_952 : i32 to index
      %swap3A_956 = arith.index_cast %swap3A_953 : i32 to index
      %swap3A_957 = arith.constant 80 : index
      %swap3A_958 = tpu.vector_load %arg7[%swap3A_954, %swap3A_955, %swap3A_956, %swap3A_957] {strides = array<i32>} : memref<8x2x8x128xf32, #tpu.memory_space<vmem>>, vector<16xf32>,
      tpu.vector_store %arg7[%swap3A_954, %swap3A_955, %swap3A_956, %swap3A_957], %gather3A_914 {strides = array<i32>} : memref<8x2x8x128xf32, #tpu.memory_space<vmem>>, vector<16xf32>,
      %swap3A_959 = arith.constant 1 : i32
      %swap3A_960 = arith.constant 5 : i32
      %swap3A_961 = arith.index_cast %rem3A_15 : i32 to index
      %swap3A_962 = arith.index_cast %swap3A_959 : i32 to index
      %swap3A_963 = arith.index_cast %swap3A_960 : i32 to index
      %swap3A_964 = arith.constant 96 : index
      %swap3A_965 = tpu.vector_load %arg7[%swap3A_961, %swap3A_962, %swap3A_963, %swap3A_964] {strides = array<i32>} : memref<8x2x8x128xf32, #tpu.memory_space<vmem>>, vector<16xf32>,
      tpu.vector_store %arg7[%swap3A_961, %swap3A_962, %swap3A_963, %swap3A_964], %gather3A_915 {strides = array<i32>} : memref<8x2x8x128xf32, #tpu.memory_space<vmem>>, vector<16xf32>,
      %swap3A_966 = arith.constant 1 : i32
      %swap3A_967 = arith.constant 5 : i32
      %swap3A_968 = arith.index_cast %rem3A_15 : i32 to index
      %swap3A_969 = arith.index_cast %swap3A_966 : i32 to index
      %swap3A_970 = arith.index_cast %swap3A_967 : i32 to index
      %swap3A_971 = arith.constant 112 : index
      %swap3A_972 = tpu.vector_load %arg7[%swap3A_968, %swap3A_969, %swap3A_970, %swap3A_971] {strides = array<i32>} : memref<8x2x8x128xf32, #tpu.memory_space<vmem>>, vector<16xf32>,
      tpu.vector_store %arg7[%swap3A_968, %swap3A_969, %swap3A_970, %swap3A_971], %gather3A_916 {strides = array<i32>} : memref<8x2x8x128xf32, #tpu.memory_space<vmem>>, vector<16xf32>,
      %broadcast_in_dim3A_973 = arith.constant 14 : i32
      %broadcast_in_dim3A_974 = vector.broadcast %broadcast_in_dim3A_973 : i32 to vector<16xi32>
      %gather3A_975 = tpu.vector_load_idx %arg6[%broadcast_in_dim3A_974, %get3A_23] : memref<16x1002xf32, #tpu.memory_space<vmem>>[vector<16xi32>, vector<16xi32>], vector<16xf32>,
      %gather3A_976 = tpu.vector_load_idx %arg6[%broadcast_in_dim3A_974, %get3A_27] : memref<16x1002xf32, #tpu.memory_space<vmem>>[vector<16xi32>, vector<16xi32>], vector<16xf32>,
      %gather3A_977 = tpu.vector_load_idx %arg6[%broadcast_in_dim3A_974, %get3A_31] : memref<16x1002xf32, #tpu.memory_space<vmem>>[vector<16xi32>, vector<16xi32>], vector<16xf32>,
      %gather3A_978 = tpu.vector_load_idx %arg6[%broadcast_in_dim3A_974, %get3A_35] : memref<16x1002xf32, #tpu.memory_space<vmem>>[vector<16xi32>, vector<16xi32>], vector<16xf32>,
      %gather3A_979 = tpu.vector_load_idx %arg6[%broadcast_in_dim3A_974, %get3A_39] : memref<16x1002xf32, #tpu.memory_space<vmem>>[vector<16xi32>, vector<16xi32>], vector<16xf32>,
      %gather3A_980 = tpu.vector_load_idx %arg6[%broadcast_in_dim3A_974, %get3A_43] : memref<16x1002xf32, #tpu.memory_space<vmem>>[vector<16xi32>, vector<16xi32>], vector<16xf32>,
      %gather3A_981 = tpu.vector_load_idx %arg6[%broadcast_in_dim3A_974, %get3A_47] : memref<16x1002xf32, #tpu.memory_space<vmem>>[vector<16xi32>, vector<16xi32>], vector<16xf32>,
      %gather3A_982 = tpu.vector_load_idx %arg6[%broadcast_in_dim3A_974, %get3A_51] : memref<16x1002xf32, #tpu.memory_space<vmem>>[vector<16xi32>, vector<16xi32>], vector<16xf32>,
      %swap3A_983 = arith.constant 1 : i32
      %swap3A_984 = arith.constant 6 : i32
      %swap3A_985 = arith.index_cast %rem3A_15 : i32 to index
      %swap3A_986 = arith.index_cast %swap3A_983 : i32 to index
      %swap3A_987 = arith.index_cast %swap3A_984 : i32 to index
      %swap3A_988 = arith.constant 0 : index
      %swap3A_989 = tpu.vector_load %arg7[%swap3A_985, %swap3A_986, %swap3A_987, %swap3A_988] {strides = array<i32>} : memref<8x2x8x128xf32, #tpu.memory_space<vmem>>, vector<16xf32>,
      tpu.vector_store %arg7[%swap3A_985, %swap3A_986, %swap3A_987, %swap3A_988], %gather3A_975 {strides = array<i32>} : memref<8x2x8x128xf32, #tpu.memory_space<vmem>>, vector<16xf32>,
      %swap3A_990 = arith.constant 1 : i32
      %swap3A_991 = arith.constant 6 : i32
      %swap3A_992 = arith.index_cast %rem3A_15 : i32 to index
      %swap3A_993 = arith.index_cast %swap3A_990 : i32 to index
      %swap3A_994 = arith.index_cast %swap3A_991 : i32 to index
      %swap3A_995 = arith.constant 16 : index
      %swap3A_996 = tpu.vector_load %arg7[%swap3A_992, %swap3A_993, %swap3A_994, %swap3A_995] {strides = array<i32>} : memref<8x2x8x128xf32, #tpu.memory_space<vmem>>, vector<16xf32>,
      tpu.vector_store %arg7[%swap3A_992, %swap3A_993, %swap3A_994, %swap3A_995], %gather3A_976 {strides = array<i32>} : memref<8x2x8x128xf32, #tpu.memory_space<vmem>>, vector<16xf32>,
      %swap3A_997 = arith.constant 1 : i32
      %swap3A_998 = arith.constant 6 : i32
      %swap3A_999 = arith.index_cast %rem3A_15 : i32 to index
      %swap3A_1000 = arith.index_cast %swap3A_997 : i32 to index
      %swap3A_1001 = arith.index_cast %swap3A_998 : i32 to index
      %swap3A_1002 = arith.constant 32 : index
      %swap3A_1003 = tpu.vector_load %arg7[%swap3A_999, %swap3A_1000, %swap3A_1001, %swap3A_1002] {strides = array<i32>} : memref<8x2x8x128xf32, #tpu.memory_space<vmem>>, vector<16xf32>,
      tpu.vector_store %arg7[%swap3A_999, %swap3A_1000, %swap3A_1001, %swap3A_1002], %gather3A_977 {strides = array<i32>} : memref<8x2x8x128xf32, #tpu.memory_space<vmem>>, vector<16xf32>,
      %swap3A_1004 = arith.constant 1 : i32
      %swap3A_1005 = arith.constant 6 : i32
      %swap3A_1006 = arith.index_cast %rem3A_15 : i32 to index
      %swap3A_1007 = arith.index_cast %swap3A_1004 : i32 to index
      %swap3A_1008 = arith.index_cast %swap3A_1005 : i32 to index
      %swap3A_1009 = arith.constant 48 : index
      %swap3A_1010 = tpu.vector_load %arg7[%swap3A_1006, %swap3A_1007, %swap3A_1008, %swap3A_1009] {strides = array<i32>} : memref<8x2x8x128xf32, #tpu.memory_space<vmem>>, vector<16xf32>,
      tpu.vector_store %arg7[%swap3A_1006, %swap3A_1007, %swap3A_1008, %swap3A_1009], %gather3A_978 {strides = array<i32>} : memref<8x2x8x128xf32, #tpu.memory_space<vmem>>, vector<16xf32>,
      %swap3A_1011 = arith.constant 1 : i32
      %swap3A_1012 = arith.constant 6 : i32
      %swap3A_1013 = arith.index_cast %rem3A_15 : i32 to index
      %swap3A_1014 = arith.index_cast %swap3A_1011 : i32 to index
      %swap3A_1015 = arith.index_cast %swap3A_1012 : i32 to index
      %swap3A_1016 = arith.constant 64 : index
      %swap3A_1017 = tpu.vector_load %arg7[%swap3A_1013, %swap3A_1014, %swap3A_1015, %swap3A_1016] {strides = array<i32>} : memref<8x2x8x128xf32, #tpu.memory_space<vmem>>, vector<16xf32>,
      tpu.vector_store %arg7[%swap3A_1013, %swap3A_1014, %swap3A_1015, %swap3A_1016], %gather3A_979 {strides = array<i32>} : memref<8x2x8x128xf32, #tpu.memory_space<vmem>>, vector<16xf32>,
      %swap3A_1018 = arith.constant 1 : i32
      %swap3A_1019 = arith.constant 6 : i32
      %swap3A_1020 = arith.index_cast %rem3A_15 : i32 to index
      %swap3A_1021 = arith.index_cast %swap3A_1018 : i32 to index
      %swap3A_1022 = arith.index_cast %swap3A_1019 : i32 to index
      %swap3A_1023 = arith.constant 80 : index
      %swap3A_1024 = tpu.vector_load %arg7[%swap3A_1020, %swap3A_1021, %swap3A_1022, %swap3A_1023] {strides = array<i32>} : memref<8x2x8x128xf32, #tpu.memory_space<vmem>>, vector<16xf32>,
      tpu.vector_store %arg7[%swap3A_1020, %swap3A_1021, %swap3A_1022, %swap3A_1023], %gather3A_980 {strides = array<i32>} : memref<8x2x8x128xf32, #tpu.memory_space<vmem>>, vector<16xf32>,
      %swap3A_1025 = arith.constant 1 : i32
      %swap3A_1026 = arith.constant 6 : i32
      %swap3A_1027 = arith.index_cast %rem3A_15 : i32 to index
      %swap3A_1028 = arith.index_cast %swap3A_1025 : i32 to index
      %swap3A_1029 = arith.index_cast %swap3A_1026 : i32 to index
      %swap3A_1030 = arith.constant 96 : index
      %swap3A_1031 = tpu.vector_load %arg7[%swap3A_1027, %swap3A_1028, %swap3A_1029, %swap3A_1030] {strides = array<i32>} : memref<8x2x8x128xf32, #tpu.memory_space<vmem>>, vector<16xf32>,
      tpu.vector_store %arg7[%swap3A_1027, %swap3A_1028, %swap3A_1029, %swap3A_1030], %gather3A_981 {strides = array<i32>} : memref<8x2x8x128xf32, #tpu.memory_space<vmem>>, vector<16xf32>,
      %swap3A_1032 = arith.constant 1 : i32
      %swap3A_1033 = arith.constant 6 : i32
      %swap3A_1034 = arith.index_cast %rem3A_15 : i32 to index
      %swap3A_1035 = arith.index_cast %swap3A_1032 : i32 to index
      %swap3A_1036 = arith.index_cast %swap3A_1033 : i32 to index
      %swap3A_1037 = arith.constant 112 : index
      %swap3A_1038 = tpu.vector_load %arg7[%swap3A_1034, %swap3A_1035, %swap3A_1036, %swap3A_1037] {strides = array<i32>} : memref<8x2x8x128xf32, #tpu.memory_space<vmem>>, vector<16xf32>,
      tpu.vector_store %arg7[%swap3A_1034, %swap3A_1035, %swap3A_1036, %swap3A_1037], %gather3A_982 {strides = array<i32>} : memref<8x2x8x128xf32, #tpu.memory_space<vmem>>, vector<16xf32>,
      %broadcast_in_dim3A_1039 = arith.constant 15 : i32
      %broadcast_in_dim3A_1040 = vector.broadcast %broadcast_in_dim3A_1039 : i32 to vector<16xi32>
      %gather3A_1041 = tpu.vector_load_idx %arg6[%broadcast_in_dim3A_1040, %get3A_23] : memref<16x1002xf32, #tpu.memory_space<vmem>>[vector<16xi32>, vector<16xi32>], vector<16xf32>,
      %gather3A_1042 = tpu.vector_load_idx %arg6[%broadcast_in_dim3A_1040, %get3A_27] : memref<16x1002xf32, #tpu.memory_space<vmem>>[vector<16xi32>, vector<16xi32>], vector<16xf32>,
      %gather3A_1043 = tpu.vector_load_idx %arg6[%broadcast_in_dim3A_1040, %get3A_31] : memref<16x1002xf32, #tpu.memory_space<vmem>>[vector<16xi32>, vector<16xi32>], vector<16xf32>,
      %gather3A_1044 = tpu.vector_load_idx %arg6[%broadcast_in_dim3A_1040, %get3A_35] : memref<16x1002xf32, #tpu.memory_space<vmem>>[vector<16xi32>, vector<16xi32>], vector<16xf32>,
      %gather3A_1045 = tpu.vector_load_idx %arg6[%broadcast_in_dim3A_1040, %get3A_39] : memref<16x1002xf32, #tpu.memory_space<vmem>>[vector<16xi32>, vector<16xi32>], vector<16xf32>,
      %gather3A_1046 = tpu.vector_load_idx %arg6[%broadcast_in_dim3A_1040, %get3A_43] : memref<16x1002xf32, #tpu.memory_space<vmem>>[vector<16xi32>, vector<16xi32>], vector<16xf32>,
      %gather3A_1047 = tpu.vector_load_idx %arg6[%broadcast_in_dim3A_1040, %get3A_47] : memref<16x1002xf32, #tpu.memory_space<vmem>>[vector<16xi32>, vector<16xi32>], vector<16xf32>,
      %gather3A_1048 = tpu.vector_load_idx %arg6[%broadcast_in_dim3A_1040, %get3A_51] : memref<16x1002xf32, #tpu.memory_space<vmem>>[vector<16xi32>, vector<16xi32>], vector<16xf32>,
      %swap3A_1049 = arith.constant 1 : i32
      %swap3A_1050 = arith.constant 7 : i32
      %swap3A_1051 = arith.index_cast %rem3A_15 : i32 to index
      %swap3A_1052 = arith.index_cast %swap3A_1049 : i32 to index
      %swap3A_1053 = arith.index_cast %swap3A_1050 : i32 to index
      %swap3A_1054 = arith.constant 0 : index
      %swap3A_1055 = tpu.vector_load %arg7[%swap3A_1051, %swap3A_1052, %swap3A_1053, %swap3A_1054] {strides = array<i32>} : memref<8x2x8x128xf32, #tpu.memory_space<vmem>>, vector<16xf32>,
      tpu.vector_store %arg7[%swap3A_1051, %swap3A_1052, %swap3A_1053, %swap3A_1054], %gather3A_1041 {strides = array<i32>} : memref<8x2x8x128xf32, #tpu.memory_space<vmem>>, vector<16xf32>,
      %swap3A_1056 = arith.constant 1 : i32
      %swap3A_1057 = arith.constant 7 : i32
      %swap3A_1058 = arith.index_cast %rem3A_15 : i32 to index
      %swap3A_1059 = arith.index_cast %swap3A_1056 : i32 to index
      %swap3A_1060 = arith.index_cast %swap3A_1057 : i32 to index
      %swap3A_1061 = arith.constant 16 : index
      %swap3A_1062 = tpu.vector_load %arg7[%swap3A_1058, %swap3A_1059, %swap3A_1060, %swap3A_1061] {strides = array<i32>} : memref<8x2x8x128xf32, #tpu.memory_space<vmem>>, vector<16xf32>,
      tpu.vector_store %arg7[%swap3A_1058, %swap3A_1059, %swap3A_1060, %swap3A_1061], %gather3A_1042 {strides = array<i32>} : memref<8x2x8x128xf32, #tpu.memory_space<vmem>>, vector<16xf32>,
      %swap3A_1063 = arith.constant 1 : i32
      %swap3A_1064 = arith.constant 7 : i32
      %swap3A_1065 = arith.index_cast %rem3A_15 : i32 to index
      %swap3A_1066 = arith.index_cast %swap3A_1063 : i32 to index
      %swap3A_1067 = arith.index_cast %swap3A_1064 : i32 to index
      %swap3A_1068 = arith.constant 32 : index
      %swap3A_1069 = tpu.vector_load %arg7[%swap3A_1065, %swap3A_1066, %swap3A_1067, %swap3A_1068] {strides = array<i32>} : memref<8x2x8x128xf32, #tpu.memory_space<vmem>>, vector<16xf32>,
      tpu.vector_store %arg7[%swap3A_1065, %swap3A_1066, %swap3A_1067, %swap3A_1068], %gather3A_1043 {strides = array<i32>} : memref<8x2x8x128xf32, #tpu.memory_space<vmem>>, vector<16xf32>,
      %swap3A_1070 = arith.constant 1 : i32
      %swap3A_1071 = arith.constant 7 : i32
      %swap3A_1072 = arith.index_cast %rem3A_15 : i32 to index
      %swap3A_1073 = arith.index_cast %swap3A_1070 : i32 to index
      %swap3A_1074 = arith.index_cast %swap3A_1071 : i32 to index
      %swap3A_1075 = arith.constant 48 : index
      %swap3A_1076 = tpu.vector_load %arg7[%swap3A_1072, %swap3A_1073, %swap3A_1074, %swap3A_1075] {strides = array<i32>} : memref<8x2x8x128xf32, #tpu.memory_space<vmem>>, vector<16xf32>,
      tpu.vector_store %arg7[%swap3A_1072, %swap3A_1073, %swap3A_1074, %swap3A_1075], %gather3A_1044 {strides = array<i32>} : memref<8x2x8x128xf32, #tpu.memory_space<vmem>>, vector<16xf32>,
      %swap3A_1077 = arith.constant 1 : i32
      %swap3A_1078 = arith.constant 7 : i32
      %swap3A_1079 = arith.index_cast %rem3A_15 : i32 to index
      %swap3A_1080 = arith.index_cast %swap3A_1077 : i32 to index
      %swap3A_1081 = arith.index_cast %swap3A_1078 : i32 to index
      %swap3A_1082 = arith.constant 64 : index
      %swap3A_1083 = tpu.vector_load %arg7[%swap3A_1079, %swap3A_1080, %swap3A_1081, %swap3A_1082] {strides = array<i32>} : memref<8x2x8x128xf32, #tpu.memory_space<vmem>>, vector<16xf32>,
      tpu.vector_store %arg7[%swap3A_1079, %swap3A_1080, %swap3A_1081, %swap3A_1082], %gather3A_1045 {strides = array<i32>} : memref<8x2x8x128xf32, #tpu.memory_space<vmem>>, vector<16xf32>,
      %swap3A_1084 = arith.constant 1 : i32
      %swap3A_1085 = arith.constant 7 : i32
      %swap3A_1086 = arith.index_cast %rem3A_15 : i32 to index
      %swap3A_1087 = arith.index_cast %swap3A_1084 : i32 to index
      %swap3A_1088 = arith.index_cast %swap3A_1085 : i32 to index
      %swap3A_1089 = arith.constant 80 : index
      %swap3A_1090 = tpu.vector_load %arg7[%swap3A_1086, %swap3A_1087, %swap3A_1088, %swap3A_1089] {strides = array<i32>} : memref<8x2x8x128xf32, #tpu.memory_space<vmem>>, vector<16xf32>,
      tpu.vector_store %arg7[%swap3A_1086, %swap3A_1087, %swap3A_1088, %swap3A_1089], %gather3A_1046 {strides = array<i32>} : memref<8x2x8x128xf32, #tpu.memory_space<vmem>>, vector<16xf32>,
      %swap3A_1091 = arith.constant 1 : i32
      %swap3A_1092 = arith.constant 7 : i32
      %swap3A_1093 = arith.index_cast %rem3A_15 : i32 to index
      %swap3A_1094 = arith.index_cast %swap3A_1091 : i32 to index
      %swap3A_1095 = arith.index_cast %swap3A_1092 : i32 to index
      %swap3A_1096 = arith.constant 96 : index
      %swap3A_1097 = tpu.vector_load %arg7[%swap3A_1093, %swap3A_1094, %swap3A_1095, %swap3A_1096] {strides = array<i32>} : memref<8x2x8x128xf32, #tpu.memory_space<vmem>>, vector<16xf32>,
      tpu.vector_store %arg7[%swap3A_1093, %swap3A_1094, %swap3A_1095, %swap3A_1096], %gather3A_1047 {strides = array<i32>} : memref<8x2x8x128xf32, #tpu.memory_space<vmem>>, vector<16xf32>,
      %swap3A_1098 = arith.constant 1 : i32
      %swap3A_1099 = arith.constant 7 : i32
      %swap3A_1100 = arith.index_cast %rem3A_15 : i32 to index
      %swap3A_1101 = arith.index_cast %swap3A_1098 : i32 to index
      %swap3A_1102 = arith.index_cast %swap3A_1099 : i32 to index
      %swap3A_1103 = arith.constant 112 : index
      %swap3A_1104 = tpu.vector_load %arg7[%swap3A_1100, %swap3A_1101, %swap3A_1102, %swap3A_1103] {strides = array<i32>} : memref<8x2x8x128xf32, #tpu.memory_space<vmem>>, vector<16xf32>,
      tpu.vector_store %arg7[%swap3A_1100, %swap3A_1101, %swap3A_1102, %swap3A_1103], %gather3A_1048 {strides = array<i32>} : memref<8x2x8x128xf32, #tpu.memory_space<vmem>>, vector<16xf32>,
      %dma_start3A = arith.constant 0 : i32
      %dma_start3A_1105 = arith.constant 0 : i32
      %dma_start3A_1106 = arith.constant 0 : i32
      %dma_start3A_1107 = tpu.memref_slice %arg7[%rem3A_15, %dma_start3A, %dma_start3A_1105, %dma_start3A_1106] : memref<8x2x8x128xf32, #tpu.memory_space<vmem>> -> memref<1x2x8x128xf32, #tpu.memory_space<vmem>>
      %dma_start3A_1108 = tpu.memref_squeeze %dma_start3A_1107 : memref<1x2x8x128xf32, #tpu.memory_space<vmem>> -> memref<2x8x128xf32, #tpu.memory_space<vmem>>
      %dma_start3A_1109 = arith.constant 0 : i32
      %dma_start3A_1110 = arith.constant 0 : i32
      %dma_start3A_1111 = arith.constant 0 : i32
      %dma_start3A_1112 = tpu.memref_slice %arg4[%add3A_14, %dma_start3A_1109, %add3A, %dma_start3A_1110, %dma_start3A_1111] : memref<200x2x32x8x128xf32, #tpu.memory_space<hbm>> -> memref<1x2x1x8x128xf32, #tpu.memory_space<hbm>>
      %dma_start3A_1113 = tpu.memref_squeeze %dma_start3A_1112 : memref<1x2x1x8x128xf32, #tpu.memory_space<hbm>> -> memref<2x8x128xf32, #tpu.memory_space<hbm>>
      %dma_start3A_1114 = tpu.memref_slice %arg8[%rem3A_15] : memref<8x!tpu.dma_semaphore, #tpu.memory_space<semaphore_mem>> -> memref<1x!tpu.dma_semaphore, #tpu.memory_space<semaphore_mem>>
      %dma_start3A_1115 = tpu.memref_squeeze %dma_start3A_1114 : memref<1x!tpu.dma_semaphore, #tpu.memory_space<semaphore_mem>> -> memref<!tpu.dma_semaphore, #tpu.memory_space<semaphore_mem>>
      %dma_start3A_1116 = arith.constant 0 : i32
      %dma_start3A_1117 = arith.constant 0 : i32
      %dma_start3A_1118 = arith.constant 0 : i32
      %dma_start3A_1119 = tpu.memref_slice %arg4[%add3A_14, %dma_start3A_1116, %add3A, %dma_start3A_1117, %dma_start3A_1118] : memref<200x2x32x8x128xf32, #tpu.memory_space<hbm>> -> memref<1x2x1x8x128xf32, #tpu.memory_space<hbm>>
      %dma_start3A_1120 = tpu.memref_squeeze %dma_start3A_1119 : memref<1x2x1x8x128xf32, #tpu.memory_space<hbm>> -> memref<2x8x128xf32, #tpu.memory_space<hbm>>
      %dma_start3A_1121 = arith.constant 0 : i32
      %dma_start3A_1122 = arith.constant 0 : i32
      %dma_start3A_1123 = arith.constant 0 : i32
      %dma_start3A_1124 = tpu.memref_slice %arg7[%rem3A_15, %dma_start3A_1121, %dma_start3A_1122, %dma_start3A_1123] : memref<8x2x8x128xf32, #tpu.memory_space<vmem>> -> memref<1x2x8x128xf32, #tpu.memory_space<vmem>>
      %dma_start3A_1125 = tpu.memref_squeeze %dma_start3A_1124 : memref<1x2x8x128xf32, #tpu.memory_space<vmem>> -> memref<2x8x128xf32, #tpu.memory_space<vmem>>
      tpu.enqueue_dma source(%dma_start3A_1125 : memref<2x8x128xf32, #tpu.memory_space<vmem>>) target(%dma_start3A_1120 : memref<2x8x128xf32, #tpu.memory_space<hbm>>) target_semaphore(%dma_start3A_1115 : memref<!tpu.dma_semaphore, #tpu.memory_space<semaphore_mem>>)
    }
    %scan3A_4 = arith.constant 200 : i32
    %scan3A_5 = arith.constant 0 : i32
    %scan3A_6 = arith.constant 8 : i32
    %scan3A_7 = arith.addi %scan3A_5, %scan3A_6 : i32
    %scan3A_8 = arith.constant 1 : i32
    scf.for %scan3A_10 = %scan3A_5 to %scan3A_7 step %scan3A_8  : i32 {
      %mul3A_11 = arith.constant 1 : i32
      %mul3A_12 = arith.muli %scan3A_10, %mul3A_11 : i32
      %add3A_13 = arith.constant 192 : i32
      %add3A_14 = arith.addi %add3A_13, %mul3A_12 : i32
      %rem3A = arith.constant 8 : i32
      %rem3A_15 = arith.remsi %add3A_14, %rem3A : i32
      %dma_wait3A = arith.constant 0 : i32
      %dma_wait3A_16 = arith.constant 0 : i32
      %dma_wait3A_17 = arith.constant 0 : i32
      %dma_wait3A_18 = tpu.memref_slice %arg7[%rem3A_15, %dma_wait3A, %dma_wait3A_16, %dma_wait3A_17] : memref<8x2x8x128xf32, #tpu.memory_space<vmem>> -> memref<1x2x8x128xf32, #tpu.memory_space<vmem>>
      %dma_wait3A_19 = tpu.memref_squeeze %dma_wait3A_18 : memref<1x2x8x128xf32, #tpu.memory_space<vmem>> -> memref<2x8x128xf32, #tpu.memory_space<vmem>>
      %dma_wait3A_20 = arith.constant 0 : i32
      %dma_wait3A_21 = arith.constant 0 : i32
      %dma_wait3A_22 = arith.constant 0 : i32
      %dma_wait3A_23 = tpu.memref_slice %arg4[%add3A_14, %dma_wait3A_20, %add3A, %dma_wait3A_21, %dma_wait3A_22] : memref<200x2x32x8x128xf32, #tpu.memory_space<hbm>> -> memref<1x2x1x8x128xf32, #tpu.memory_space<hbm>>
      %dma_wait3A_24 = tpu.memref_squeeze %dma_wait3A_23 : memref<1x2x1x8x128xf32, #tpu.memory_space<hbm>> -> memref<2x8x128xf32, #tpu.memory_space<hbm>>
      %dma_wait3A_25 = tpu.memref_slice %arg8[%rem3A_15] : memref<8x!tpu.dma_semaphore, #tpu.memory_space<semaphore_mem>> -> memref<1x!tpu.dma_semaphore, #tpu.memory_space<semaphore_mem>>
      %dma_wait3A_26 = tpu.memref_squeeze %dma_wait3A_25 : memref<1x!tpu.dma_semaphore, #tpu.memory_space<semaphore_mem>> -> memref<!tpu.dma_semaphore, #tpu.memory_space<semaphore_mem>>
      %dma_wait3A_27 = arith.constant 0 : i32
      %dma_wait3A_28 = arith.constant 0 : i32
      %dma_wait3A_29 = arith.constant 0 : i32
      %dma_wait3A_30 = tpu.memref_slice %arg4[%add3A_14, %dma_wait3A_27, %add3A, %dma_wait3A_28, %dma_wait3A_29] : memref<200x2x32x8x128xf32, #tpu.memory_space<hbm>> -> memref<1x2x1x8x128xf32, #tpu.memory_space<hbm>>
      %dma_wait3A_31 = tpu.memref_squeeze %dma_wait3A_30 : memref<1x2x1x8x128xf32, #tpu.memory_space<hbm>> -> memref<2x8x128xf32, #tpu.memory_space<hbm>>
      %dma_wait3A_32 = arith.constant 0 : i32
      %dma_wait3A_33 = arith.constant 0 : i32
      %dma_wait3A_34 = arith.constant 0 : i32
      %dma_wait3A_35 = tpu.memref_slice %arg7[%rem3A_15, %dma_wait3A_32, %dma_wait3A_33, %dma_wait3A_34] : memref<8x2x8x128xf32, #tpu.memory_space<vmem>> -> memref<1x2x8x128xf32, #tpu.memory_space<vmem>>
      %dma_wait3A_36 = tpu.memref_squeeze %dma_wait3A_35 : memref<1x2x8x128xf32, #tpu.memory_space<vmem>> -> memref<2x8x128xf32, #tpu.memory_space<vmem>>
      tpu.wait_dma2 semaphore(%dma_wait3A_26 : memref<!tpu.dma_semaphore, #tpu.memory_space<semaphore_mem>>) src(%dma_wait3A_36 : memref<2x8x128xf32, #tpu.memory_space<vmem>>) dst(%dma_wait3A_31 : memref<2x8x128xf32, #tpu.memory_space<hbm>>)
    }
    %scan3A_9 = arith.constant 8 : i32
    return
  }
}

</mosaic_0001>

<sc_bundles>
// kernel: kernel.3.cloned.1.call-start
scs
__scs_entry_jumppad:
0x0: {  	(pc) =	sbr.rel $0x88, $3  }
0x1: {  	(tag) =	ssettag $0x0;
	lr =	simm.s32 $0x1  }
0x2: {  	[smem:$0x3F9F] =	sst lr;
	_ =	strace $0xD0000000  }
0x3: {  	_ = 	snop  }
0x4: {  	_ = 	snop  }
0x5: {  	_ = 	snop  }
0x6: {  	_ = 	snop  }
0x7: {  	_ = 	snop  }
__scs_overlays_trampoline_lowered:
0x8: {  	[smem:$0x3FAE] =	sst s0  }
0x9: {  	[smem:$0x3FAF] =	sst s1  }
0xa: {  	[smem:$0x3FB0] =	sst s2  }
0xb: {  	[smem:$0x3FB1] =	sst s3  }
0xc: {  	[smem:$0x3FB2] =	sst s4  }
0xd: {  	[smem:$0x3FB3] =	sst s5  }
0xe: {  	[smem:$0x3FB4] =	sst s6  }
0xf: {  	[smem:$0x3FB5] =	sst s7  }
0x10: {  	[smem:$0x3FB6] =	sst s8  }
0x11: {  	[smem:$0x3FB7] =	sst s9;
	s0 =	simm.s32 @!p0 $0x0  }
0x12: {  	s1 =	sld [smem:$0x3F9D];
	s0 =	simm.s32 @p0 $0x1  }
0x13: {  	[smem:$0x3FB8] =	sst s0;
	s0 =	simm.s32 @!p1 $0x0  }
0x14: {  	s2 =	sld [smem:$0x3F9C];
	s0 =	simm.s32 @p1 $0x1  }
0x15: {  	[smem:$0x3FB9] =	sst s0;
	s0 =	simm.s32 @!p2 $0x0  }
0x16: {  	s3 =	sld [smem:$0x3FDB];
	s0 =	simm.s32 @p2 $0x1  }
0x17: {  	s4 =	simm.s32 $0x1BF5;
	[smem:$0x3FBB] =	sst s0  }
0x18: {  	s0 =	sld [smem:$0x3F9E];
	_ =	swait.ge [sflag:s4], $0x0  }
0x19: {  	s7 =	sld [smem:$0x3F9F]  }
0x1a: {  	s8 =	sadd.s32 $0xFFFFE003, lr  }
0x1b: {  	s9 =	sadd.s32 $0xFFFFFEF7, lr;
	s5 =	simm.s32 $0xFFFFFFFF;
	p2 =	slt.u32 s8, $0xFFFFF086  }
0x1c: {  	p1 =	slt.u32 s9, $0xF7A;
	s5 =	simm.s32 @!p2 $0x0  }
0x1d: {  	s5 =	simm.s32 @p1 $0x1;
	p0 =	seq.s32 s7, s2  }
0x1e: {  	s7 =	smul.u32 @!p0 $0xF7A, s2;
	p2 =	seq.s32 @!p0 s5, $0x0  }
0x1f: {  	s9 =	smul.u32 $0xF7A, s1;
	s8 =	simm.s32 @!p0 $0x1BF5;
	p2 =	por !p2, p0  }
0x20: {  	[sflag:s8] =	ssyncset.s32 @!p0 $0xFFFFF086;
	s6 =	sadd.s32 @!p0 s3, s7;
	s7 =	simm.s32 @!p0 $0x108  }
0x21: {  	s3 =	sadd.s32 s3, s9;
	s6 =	sadd.s32 @!p0 $0x88, s6;
	s7 =	simm.s32 @p2 $0x1082  }
0x22: {  	[simem:s7], [sflag:s8] =	dma.local @!p0 [hbm:s6], $0xF7A  }
0x23: {  	s9 =	sor.u32 $0xD0000000, s2;
	s6 =	simm.s32 $0x108;
	_ =	swait.ge @!p0 [sflag:s8], $0x0  }
0x24: {  	s3 =	sadd.s32 $0x88, s3;
	s6 =	simm.s32 @!p1 $0x1082;
	[sflag:s4] =	ssyncset.s32 $0xFFFFF086  }
0x25: {  	[simem:s6], [sflag:s4] =	dma.local [hbm:s3], $0xF7A  }
0x26: {  	[smem:$0x3F9F] =	sst s1;
	(tag) =	ssettag s2;
	_ =	strace s9  }
0x27: {  	s1 =	sld [smem:$0x3FAF]  }
0x28: {  	s2 =	sld [smem:$0x3FB0]  }
0x29: {  	s4 =	sld [smem:$0x3FB2]  }
0x2a: {  	p0 =	seq.s32 s5, $0x0;
	s5 =	sld [smem:$0x3FB3]  }
0x2b: {  	s6 =	sld [smem:$0x3FB4]  }
0x2c: {  	s7 =	sld [smem:$0x3FB5]  }
0x2d: {  	s3 =	simm.s32 $0x108;
	s8 =	sld [smem:$0x3FB6]  }
0x2e: {  	s3 =	simm.s32 @!p0 $0x1082;
	s9 =	sld [smem:$0x3FB7]  }
0x2f: {  	lr =	sadd.s32 s0, s3;
	s0 =	sld [smem:$0x3FAE]  }
0x30: {  	s3 =	sld [smem:$0x3FB1]  }
0x31: {  	[smem:$0x3FBA] =	sst s10  }
0x32: {  	s10 =	sld [smem:$0x3FB8];
	_ =	sdelay $0x3  }
0x33: {  	p0 =	seq.s32 s10, $0x1;
	s10 =	sld [smem:$0x3FBA];
	_ =	sdelay $0x3  }
0x34: {  	[smem:$0x3FBA] =	sst s10  }
0x35: {  	s10 =	sld [smem:$0x3FB9];
	_ =	sdelay $0x3  }
0x36: {  	p1 =	seq.s32 s10, $0x1;
	s10 =	sld [smem:$0x3FBA];
	_ =	sdelay $0x3  }
0x37: {  	[smem:$0x3FBA] =	sst s10  }
0x38: {  	s10 =	sld [smem:$0x3FBB]  }
0x39: {  	_ = 	snop;
	(pc) =	sbr.ind lr, $3  }
0x3a: {  	_ = 	snop  }
0x3b: {  	_ = 	snop  }
0x3c: {  	p2 =	seq.s32 s10, $0x1;
	s10 =	sld [smem:$0x3FBA]  }
0x3d: {  	_ =	shalt  }
0x3e: {  	_ =	shalt  }
0x3f: {  	_ =	shalt  }
0x40: {  	_ =	shalt  }
0x41: {  	_ =	shalt  }
0x42: {  	_ =	shalt  }
0x43: {  	_ =	shalt  }
0x44: {  	_ =	shalt  }
0x45: {  	_ =	shalt  }
0x46: {  	_ =	shalt  }
0x47: {  	_ =	shalt  }
0x48: {  	_ =	shalt  }
0x49: {  	_ =	shalt  }
0x4a: {  	_ =	shalt  }
0x4b: {  	_ =	shalt  }
0x4c: {  	_ =	shalt  }
0x4d: {  	_ =	shalt  }
0x4e: {  	_ =	shalt  }
0x4f: {  	_ =	shalt  }
0x50: {  	_ =	shalt  }
0x51: {  	_ =	shalt  }
0x52: {  	_ =	shalt  }
0x53: {  	_ =	shalt  }
0x54: {  	_ =	shalt  }
0x55: {  	_ =	shalt  }
0x56: {  	_ =	shalt  }
0x57: {  	_ =	shalt  }
0x58: {  	_ =	shalt  }
0x59: {  	_ =	shalt  }
0x5a: {  	_ =	shalt  }
0x5b: {  	_ =	shalt  }
0x5c: {  	_ =	shalt  }
0x5d: {  	_ =	shalt  }
0x5e: {  	_ =	shalt  }
0x5f: {  	_ =	shalt  }
0x60: {  	_ =	shalt  }
0x61: {  	_ =	shalt  }
0x62: {  	_ =	shalt  }
0x63: {  	_ =	shalt  }
0x64: {  	_ =	shalt  }
0x65: {  	_ =	shalt  }
0x66: {  	_ =	shalt  }
0x67: {  	_ =	shalt  }
0x68: {  	_ =	shalt  }
0x69: {  	_ =	shalt  }
0x6a: {  	_ =	shalt  }
0x6b: {  	_ =	shalt  }
0x6c: {  	_ =	shalt  }
0x6d: {  	_ =	shalt  }
0x6e: {  	_ =	shalt  }
0x6f: {  	_ =	shalt  }
0x70: {  	_ =	shalt  }
0x71: {  	_ =	shalt  }
0x72: {  	_ =	shalt  }
0x73: {  	_ =	shalt  }
0x74: {  	_ =	shalt  }
0x75: {  	_ =	shalt  }
0x76: {  	_ =	shalt  }
0x77: {  	_ =	shalt  }
0x78: {  	_ =	shalt  }
0x79: {  	_ =	shalt  }
0x7a: {  	_ =	shalt  }
0x7b: {  	_ =	shalt  }
0x7c: {  	_ =	shalt  }
0x7d: {  	_ =	shalt  }
0x7e: {  	_ =	shalt  }
0x7f: {  	_ =	shalt  }
0x80: {  	_ =	shalt  }
0x81: {  	_ =	shalt  }
0x82: {  	_ =	shalt  }
0x83: {  	_ =	shalt  }
0x84: {  	_ =	shalt  }
0x85: {  	_ =	shalt  }
0x86: {  	_ =	shalt  }
0x87: {  	_ =	shalt  }
.Lfunc_end0:
.L_simem_size_0:
called_computation_lowered:
.L_overlay_start_0:
0x88: {  	s2 =	sld [smem:$0x3FD9]  }
0x89: {  	s3 =	sld [smem:$0x3FFE];
	_ =	sdelay $0x1  }
0x8a: {  	s1 =	srdreg.scid  }
0x8b: {  	s0 =	sand.u32 $0x1, s1  }
0x8c: {  	s17 =	sshll.u32 s0, $0xA;
	s2 =	sadd.s32 s3, s2  }
0x8d: {  	s2 =	sadd.s32 s2, s17  }
0x8e: {  	[smem:$0x3FC6] =	sst s2  }
0x8f: {  	_ = 	snop  }
0x90: {  	s2 =	sld [smem:$0x3FC9]  }
0x91: {  	s18 =	sld [smem:$0x3FD0];
	(tm) =	ssettm $0x1  }
0x92: {  	s4 =	sld [smem:$0x3FFB];
	_ =	sdelay $0x3  }
0x93: {  	_ =	strace s4  }
0x94: {  	s4 =	sld [smem:$0x3FFC];
	_ =	sdelay $0x3  }
0x95: {  	_ =	strace s4  }
0x96: {  	s4 =	sld [smem:$0x3FFD];
	_ =	sdelay $0x3  }
0x97: {  	_ =	strace s4  }
0x98: {  	_ =	strace $0x8FFFFFFF  }
0x99: {  	s19 =	sld [smem:$0x3FDB];
	_ =	sdelay $0x1  }
0x9a: {  	s5 =	simm.s32 $_scs_section_size  }
0x9b: {  	s6 =	simm.s32 $_size__tile_overlayer_lowered;
	s7 =	simm.s32 $_tile_overlayer_lowered  }
0x9c: {  	s22 =	simm.s32 $0x1BFF;
	s21 =	sshll.u32 s7, $0x1;
	s4 =	sadd.s32 s5, s19  }
0x9d: {  	s8 =	simm.s32 $0x0;
	s20 =	sshll.u32 s6, $0x1;
	s6 =	sadd.s32 s21, s4  }
0x9e: {  	[timem:s8], [sflag:s22] =	dma.local [hbm:s6], s20  }
0x9f: {  	_ =	swait.ge [sflag:s22], s20  }
0xa0: {  	s5 =	ssub.s32 $0x0, s20;
	[sflag:s22] =	ssyncset.done $0x0  }
0xa1: {  	[sflag:s22] =	ssyncadd.s32 s5;
	_ =	sdelay $0x1  }
0xa2: {  	s23 =	simm.s32 $0x1B8B  }
0xa3: {  	_ =	swait.ge [sflag:s23], $0x1  }
0xa4: {  	[sflag:s23] =	ssyncset.done $0x0  }
0xa5: {  	s25 =	simm.s32 $0x1B8E;
	s24 =	sld [smem:$0x3FFE];
	[sflag:s23] =	ssyncadd.s32 $0xFFFFFFFF  }
0xa6: {  	s26 =	simm.s32 $execute0_lowered;
	[smem:$0x3FD2] =	sst s25  }
0xa7: {  	s6 =	sshll.u32 s26, $0x1;
	_ =	strace $0x80000046;
	[dreg:$0x1] =	wrdreg $0xFFFFFFFF  }
0xa8: {  	s28 =	simm.s32 $_size_execute0_lowered;
	s4 =	sadd.s32 s4, s6;
	[dreg:$0x0] =	wrdreg $0x0  }
0xa9: {  	s6 =	sshll.u32 s28, $0x1;
	[dreg:$0x2] =	wrdreg s4  }
0xaa: {  	[dreg:$0x3] =	wrdreg s6  }
0xab: {  	[dreg:$0x4] =	wrdreg $0xC0  }
0xac: {  	_ =	task [dreg:s8], $0x5FFFF  }
0xad: {  	[dreg:$0x1] =	wrdreg $0xFFFFFFFF  }
0xae: {  	[dreg:$0x0] =	wrdreg $0x60  }
0xaf: {  	[dreg:$0x2] =	wrdreg s2  }
0xb0: {  	[dreg:$0x3] =	wrdreg s24  }
0xb1: {  	[dreg:$0x4] =	wrdreg s18  }
0xb2: {  	[dreg:$0x5] =	wrdreg $0x9  }
0xb3: {  	_ =	task.clear_ibuf [dreg:s8], $0x6FFFF;
	_ =	strace $0x90000046  }
0xb4: {  	s29 =	simm.s32 $0x9;
	_ =	strace $0x80000048  }
0xb5: {  	_ =	swait.ge [sflag:s29], $0x1  }
0xb6: {  	[sflag:s29] =	ssyncadd.s32 $0xFFFFFFFF  }
0xb7: {  	_ =	strace $0x90000048  }
0xb8: {  	_ =	sfence  }
0xb9: {  	s30 =	sld [smem:$0x0];
	_ =	sdelay $0x2  }
0xba: {  	s31 =	sshll.u32 s1, $0xD;
	s1 =	sshrl.u32 s1, $0x2  }
0xbb: {  	s3 =	sand.u32 $0x4000, s31;
	s1 =	sadd.s32 s1, s30  }
0xbc: {  	s0 =	sor.u32 s3, s0;
	s1 =	sshll.u32 s1, $0x11  }
0xbd: {  	s0 =	sor.u32 s1, s0  }
0xbe: {  	s0 =	sadd.s32 $0x8F2B, s0  }
0xbf: {  	[sflag:s0] =	ssyncadd.remote.s32 $0x1  }
0xc0: {  	_ =	sfence.sel $0xFFFF  }
0xc1: {  	[dreg:$0x0] =	wrdreg $0xFFFFFFFF;
	(pc) =	sbr.abs _section_cstart, $3  }
0xc2: {  	[dreg:$0x1] =	wrdreg $0xFFFFFFFF  }
0xc3: {  	_ =	task.clear_ibuf [dreg:s8], $0x2FFFF;
	_ =	strace $0x9FFFFFFF  }
0xc4: {  	(tm) =	ssettm $0x7FFFFFFF  }
0xc5: {  	_ =	shalt  }
tec
execute0_lowered:
.L_overlay_start_1:
0x0: {  	(tag) =	ssettag $0x1  }
0x1: {  	s4 =	rddreg [dreg:$0x0]  }
0x2: {  	s3 =	rddreg [dreg:$0x1]  }
0x3: {  	s6 =	rddreg [dreg:$0x2];
	s2 =	srdreg.scid  }
0x4: {  	s0 =	rddreg [dreg:$0x3];
	s1 =	stileid.u32;
	s9 =	simm.s32 $0x400  }
0x5: {  	s10 =	simm.s32 $0x8000;
	s11 =	simm.s32 $0x1;
	s12 =	simm.s32 $0x2  }
0x6: {  	s13 =	simm.s32 $0x3;
	s14 =	simm.s32 $0x4;
	s15 =	simm.s32 $0x5  }
0x7: {  	s16 =	simm.s32 $0x6;
	s17 =	simm.s32 $0x7;
	s18 =	simm.s32 $0x8  }
0x8: {  	s19 =	simm.s32 $0x0;
	s5 =	sand.u32 $0x1, s2;
	s2 =	simm.s32 $0x0  }
0x9: {  	s7 =	sshll.u32 s1, $0xB;
	s3 =	sadd.s32 $0x400, s3;
	s8 =	sshll.u32 s5, $0xA  }
0xa: {  	[smem:$0x7FF] =	sst s2;
	s5 =	ssub.s32 $0x2, s5;
	s7 =	sor.u32 s8, s7  }
0xb: {  	_ =	strace $0x80000047;
	s31 =	sshrl.u32 s5, $0x1;
	s7 =	sshrl.u32 s7, $0x3  }
0xc: {  	s8 =	simm.s32 $0x9;
	s5 =	ssub.s32 s5, s31;
	s4 =	sadd.s32 s4, s7  }
0xd: {  	s5 =	smax.u32 s5, $0x1;
	s6 =	sadd.s32 s7, s6;
	s7 =	simm.s32 $0x6400  }
.LBB2_1:
0xe: {  	[tilespmem:s7], [sflag:$0x9] =	stream.linear.gather [hbm4b:s3+s2], $0x3F00, $0x38;
	[tilespmem:$0xE300] =	vst v63  }
0xf: {  	_ =	swait.ge [sflag:s8], $0x3F00  }
0x10: {  	[sflag:s8] =	ssyncset.done $0x0  }
0x11: {  	[sflag:s8] =	ssyncadd.s32 $0xFFFFC100  }
0x12: {  	[tilespmem:s2], [sflag:$0x9] =	stream.strided.gather [hbm4b:s4+s9], $0x6400, s10, s9, $0x38;
	[tilespmem:$0xE300] =	vst v63  }
0x13: {  	_ =	swait.ge [sflag:s8], $0x6400  }
0x14: {  	s20 =	simm.s32 $0x40;
	[sflag:s8] =	ssyncset.done $0x0  }
0x15: {  	s21 =	smov.u32 s6;
	s22 =	simm.s32 $0x0;
	[sflag:s8] =	ssyncadd.s32 $0xFFFF9C00  }
.LBB2_2:
0x16: {  	s23 =	sand.u32 $0x7, s22;
	p0 =	slt.u32 s22, $0x8  }
0x17: {  	s24 =	sadd.s32 @!p0 $0x1, s23  }
0x18: {  	_ =	swait.ge @!p0 [sflag:s24], $0x800  }
0x19: {  	[sflag:s24] =	ssyncset.done @!p0 $0x0  }
0x1a: {  	[sflag:s24] =	ssyncadd.s32 @!p0 $0xFFFFF800  }
0x1b: {  	v7 =	vld [tilespmem:s20+$0xFFFFFFC0]  }
0x1c: {  	v6 =	vld [tilespmem:s20+$0xFFFFFFD0]  }
0x1d: {  	v5 =	vld [tilespmem:s20+$0xFFFFFFE0]  }
0x1e: {  	v4 =	vld [tilespmem:s20+$0xFFFFFFF0]  }
0x1f: {  	v3 =	vld [tilespmem:s20+$0x0]  }
0x20: {  	v2 =	vld [tilespmem:s20+$0x10]  }
0x21: {  	v1 =	vld [tilespmem:s20+$0x20]  }
0x22: {  	v0 =	vld [tilespmem:s20+$0x30]  }
0x23: {  	v8 =	vld.idx.msk [tilespmem:v7+s7+$0x0], $0xffff  }
0x24: {  	v9 =	vld.idx.msk [tilespmem:v6+s7+$0x0], $0xffff  }
0x25: {  	v10 =	vld.idx.msk [tilespmem:v5+s7+$0x0], $0xffff  }
0x26: {  	v11 =	vld.idx.msk [tilespmem:v4+s7+$0x0], $0xffff  }
0x27: {  	v12 =	vld.idx.msk [tilespmem:v3+s7+$0x0], $0xffff  }
0x28: {  	v13 =	vld.idx.msk [tilespmem:v2+s7+$0x0], $0xffff  }
0x29: {  	s31 =	sshll.u32 s23, $0xB;
	v14 =	vld.idx.msk [tilespmem:v1+s7+$0x0], $0xffff  }
0x2a: {  	v15 =	vld.idx.msk [tilespmem:v0+s7+$0x0], $0xffff;
	[tilespmem:s31+$0xA300] =	vst v8  }
0x2b: {  	[tilespmem:s31+$0xA310] =	vst v9  }
0x2c: {  	[tilespmem:s31+$0xA320] =	vst v10  }
0x2d: {  	v48 =	vadd.s32 $0x3F0, v7;
	[tilespmem:s31+$0xA330] =	vst v11  }
0x2e: {  	v49 =	vadd.s32 $0x3F0, v6;
	[tilespmem:s31+$0xA340] =	vst v12  }
0x2f: {  	v50 =	vadd.s32 $0x3F0, v5;
	[tilespmem:s31+$0xA350] =	vst v13  }
0x30: {  	v51 =	vadd.s32 $0x3F0, v4;
	[tilespmem:s31+$0xA360] =	vst v14  }
0x31: {  	v52 =	vadd.s32 $0x3F0, v3;
	[tilespmem:s31+$0xA370] =	vst v15  }
0x32: {  	v53 =	vadd.s32 $0x3F0, v2;
	v8 =	vld.idx.msk [tilespmem:v48+s7+$0x0], $0xffff  }
0x33: {  	v54 =	vadd.s32 $0x3F0, v1;
	v9 =	vld.idx.msk [tilespmem:v49+s7+$0x0], $0xffff  }
0x34: {  	v55 =	vadd.s32 $0x3F0, v0;
	v10 =	vld.idx.msk [tilespmem:v50+s7+$0x0], $0xffff  }
0x35: {  	v11 =	vld.idx.msk [tilespmem:v51+s7+$0x0], $0xffff  }
0x36: {  	v12 =	vld.idx.msk [tilespmem:v52+s7+$0x0], $0xffff  }
0x37: {  	v13 =	vld.idx.msk [tilespmem:v53+s7+$0x0], $0xffff  }
0x38: {  	v14 =	vld.idx.msk [tilespmem:v54+s7+$0x0], $0xffff  }
0x39: {  	v15 =	vld.idx.msk [tilespmem:v55+s7+$0x0], $0xffff;
	[tilespmem:s31+$0xA380] =	vst v8  }
0x3a: {  	[tilespmem:s31+$0xA390] =	vst v9  }
0x3b: {  	[tilespmem:s31+$0xA3A0] =	vst v10  }
0x3c: {  	v56 =	vadd.s32 $0x7E0, v7;
	[tilespmem:s31+$0xA3B0] =	vst v11  }
0x3d: {  	v57 =	vadd.s32 $0x7E0, v6;
	[tilespmem:s31+$0xA3C0] =	vst v12  }
0x3e: {  	v58 =	vadd.s32 $0x7E0, v5;
	[tilespmem:s31+$0xA3D0] =	vst v13  }
0x3f: {  	v59 =	vadd.s32 $0x7E0, v4;
	[tilespmem:s31+$0xA3E0] =	vst v14  }
0x40: {  	v60 =	vadd.s32 $0x7E0, v3;
	[tilespmem:s31+$0xA3F0] =	vst v15  }
0x41: {  	v61 =	vadd.s32 $0x7E0, v2;
	v8 =	vld.idx.msk [tilespmem:v56+s7+$0x0], $0xffff  }
0x42: {  	v62 =	vadd.s32 $0x7E0, v1;
	v9 =	vld.idx.msk [tilespmem:v57+s7+$0x0], $0xffff  }
0x43: {  	v63 =	vadd.s32 $0x7E0, v0;
	v10 =	vld.idx.msk [tilespmem:v58+s7+$0x0], $0xffff  }
0x44: {  	v11 =	vld.idx.msk [tilespmem:v59+s7+$0x0], $0xffff  }
0x45: {  	v12 =	vld.idx.msk [tilespmem:v60+s7+$0x0], $0xffff  }
0x46: {  	v13 =	vld.idx.msk [tilespmem:v61+s7+$0x0], $0xffff  }
0x47: {  	v14 =	vld.idx.msk [tilespmem:v62+s7+$0x0], $0xffff  }
0x48: {  	v15 =	vld.idx.msk [tilespmem:v63+s7+$0x0], $0xffff;
	[tilespmem:s31+$0xA400] =	vst v8  }
0x49: {  	[tilespmem:s31+$0xA410] =	vst v9  }
0x4a: {  	[tilespmem:s31+$0xA420] =	vst v10  }
0x4b: {  	v16 =	vadd.s32 $0xBD0, v7;
	[tilespmem:s31+$0xA430] =	vst v11  }
0x4c: {  	v17 =	vadd.s32 $0xBD0, v6;
	[tilespmem:s31+$0xA440] =	vst v12  }
0x4d: {  	v18 =	vadd.s32 $0xBD0, v5;
	[tilespmem:s31+$0xA450] =	vst v13  }
0x4e: {  	v19 =	vadd.s32 $0xBD0, v4;
	[tilespmem:s31+$0xA460] =	vst v14  }
0x4f: {  	v20 =	vadd.s32 $0xBD0, v3;
	[tilespmem:s31+$0xA470] =	vst v15  }
0x50: {  	v21 =	vadd.s32 $0xBD0, v2;
	v8 =	vld.idx.msk [tilespmem:v16+s7+$0x0], $0xffff  }
0x51: {  	v22 =	vadd.s32 $0xBD0, v1;
	v9 =	vld.idx.msk [tilespmem:v17+s7+$0x0], $0xffff  }
0x52: {  	v23 =	vadd.s32 $0xBD0, v0;
	v10 =	vld.idx.msk [tilespmem:v18+s7+$0x0], $0xffff  }
0x53: {  	v11 =	vld.idx.msk [tilespmem:v19+s7+$0x0], $0xffff  }
0x54: {  	v12 =	vld.idx.msk [tilespmem:v20+s7+$0x0], $0xffff  }
0x55: {  	v13 =	vld.idx.msk [tilespmem:v21+s7+$0x0], $0xffff  }
0x56: {  	v14 =	vld.idx.msk [tilespmem:v22+s7+$0x0], $0xffff  }
0x57: {  	v15 =	vld.idx.msk [tilespmem:v23+s7+$0x0], $0xffff;
	[tilespmem:s31+$0xA480] =	vst v8  }
0x58: {  	[tilespmem:s31+$0xA490] =	vst v9  }
0x59: {  	[tilespmem:s31+$0xA4A0] =	vst v10  }
0x5a: {  	v24 =	vadd.s32 $0xFC0, v7;
	[tilespmem:s31+$0xA4B0] =	vst v11  }
0x5b: {  	v25 =	vadd.s32 $0xFC0, v6;
	[tilespmem:s31+$0xA4C0] =	vst v12  }
0x5c: {  	v26 =	vadd.s32 $0xFC0, v5;
	[tilespmem:s31+$0xA4D0] =	vst v13  }
0x5d: {  	v27 =	vadd.s32 $0xFC0, v4;
	[tilespmem:s31+$0xA4E0] =	vst v14  }
0x5e: {  	v28 =	vadd.s32 $0xFC0, v3;
	[tilespmem:s31+$0xA4F0] =	vst v15  }
0x5f: {  	v29 =	vadd.s32 $0xFC0, v2;
	v8 =	vld.idx.msk [tilespmem:v24+s7+$0x0], $0xffff  }
0x60: {  	v30 =	vadd.s32 $0xFC0, v1;
	v9 =	vld.idx.msk [tilespmem:v25+s7+$0x0], $0xffff  }
0x61: {  	v31 =	vadd.s32 $0xFC0, v0;
	v10 =	vld.idx.msk [tilespmem:v26+s7+$0x0], $0xffff  }
0x62: {  	v11 =	vld.idx.msk [tilespmem:v27+s7+$0x0], $0xffff  }
0x63: {  	v12 =	vld.idx.msk [tilespmem:v28+s7+$0x0], $0xffff  }
0x64: {  	v13 =	vld.idx.msk [tilespmem:v29+s7+$0x0], $0xffff  }
0x65: {  	v14 =	vld.idx.msk [tilespmem:v30+s7+$0x0], $0xffff  }
0x66: {  	v15 =	vld.idx.msk [tilespmem:v31+s7+$0x0], $0xffff;
	[tilespmem:s31+$0xA500] =	vst v8  }
0x67: {  	[tilespmem:s31+$0xA510] =	vst v9  }
0x68: {  	[tilespmem:s31+$0xA520] =	vst v10  }
0x69: {  	v32 =	vadd.s32 $0x13B0, v7;
	[tilespmem:s31+$0xA530] =	vst v11  }
0x6a: {  	v33 =	vadd.s32 $0x13B0, v6;
	[tilespmem:s31+$0xA540] =	vst v12  }
0x6b: {  	v34 =	vadd.s32 $0x13B0, v5;
	[tilespmem:s31+$0xA550] =	vst v13  }
0x6c: {  	v35 =	vadd.s32 $0x13B0, v4;
	[tilespmem:s31+$0xA560] =	vst v14  }
0x6d: {  	v36 =	vadd.s32 $0x13B0, v3;
	[tilespmem:s31+$0xA570] =	vst v15  }
0x6e: {  	v37 =	vadd.s32 $0x13B0, v2;
	v8 =	vld.idx.msk [tilespmem:v32+s7+$0x0], $0xffff  }
0x6f: {  	v38 =	vadd.s32 $0x13B0, v1;
	v9 =	vld.idx.msk [tilespmem:v33+s7+$0x0], $0xffff  }
0x70: {  	v39 =	vadd.s32 $0x13B0, v0;
	v10 =	vld.idx.msk [tilespmem:v34+s7+$0x0], $0xffff  }
0x71: {  	v11 =	vld.idx.msk [tilespmem:v35+s7+$0x0], $0xffff  }
0x72: {  	v12 =	vld.idx.msk [tilespmem:v36+s7+$0x0], $0xffff  }
0x73: {  	v13 =	vld.idx.msk [tilespmem:v37+s7+$0x0], $0xffff  }
0x74: {  	v14 =	vld.idx.msk [tilespmem:v38+s7+$0x0], $0xffff  }
0x75: {  	v15 =	vld.idx.msk [tilespmem:v39+s7+$0x0], $0xffff;
	[tilespmem:s31+$0xA580] =	vst v8  }
0x76: {  	[tilespmem:s31+$0xA590] =	vst v9  }
0x77: {  	[tilespmem:s31+$0xA5A0] =	vst v10  }
0x78: {  	v40 =	vadd.s32 $0x17A0, v7;
	[tilespmem:s31+$0xA5B0] =	vst v11  }
0x79: {  	v41 =	vadd.s32 $0x17A0, v6;
	[tilespmem:s31+$0xA5C0] =	vst v12  }
0x7a: {  	v42 =	vadd.s32 $0x17A0, v5;
	[tilespmem:s31+$0xA5D0] =	vst v13  }
0x7b: {  	v43 =	vadd.s32 $0x17A0, v4;
	[tilespmem:s31+$0xA5E0] =	vst v14  }
0x7c: {  	v44 =	vadd.s32 $0x17A0, v3;
	[tilespmem:s31+$0xA5F0] =	vst v15  }
0x7d: {  	v45 =	vadd.s32 $0x17A0, v2;
	v8 =	vld.idx.msk [tilespmem:v40+s7+$0x0], $0xffff  }
0x7e: {  	v46 =	vadd.s32 $0x17A0, v1;
	v9 =	vld.idx.msk [tilespmem:v41+s7+$0x0], $0xffff  }
0x7f: {  	v47 =	vadd.s32 $0x17A0, v0;
	v10 =	vld.idx.msk [tilespmem:v42+s7+$0x0], $0xffff  }
0x80: {  	v11 =	vld.idx.msk [tilespmem:v43+s7+$0x0], $0xffff  }
0x81: {  	v12 =	vld.idx.msk [tilespmem:v44+s7+$0x0], $0xffff  }
0x82: {  	v13 =	vld.idx.msk [tilespmem:v45+s7+$0x0], $0xffff  }
0x83: {  	v14 =	vld.idx.msk [tilespmem:v46+s7+$0x0], $0xffff  }
0x84: {  	v15 =	vld.idx.msk [tilespmem:v47+s7+$0x0], $0xffff;
	[tilespmem:s31+$0xA600] =	vst v8  }
0x85: {  	[tilespmem:s31+$0xA610] =	vst v9  }
0x86: {  	[tilespmem:s31+$0xA620] =	vst v10  }
0x87: {  	v48 =	vadd.s32 $0x1B90, v7;
	[tilespmem:s31+$0xA630] =	vst v11  }
0x88: {  	v49 =	vadd.s32 $0x1B90, v6;
	[tilespmem:s31+$0xA640] =	vst v12  }
0x89: {  	v50 =	vadd.s32 $0x1B90, v5;
	[tilespmem:s31+$0xA650] =	vst v13  }
0x8a: {  	v51 =	vadd.s32 $0x1B90, v4;
	[tilespmem:s31+$0xA660] =	vst v14  }
0x8b: {  	v52 =	vadd.s32 $0x1B90, v3;
	[tilespmem:s31+$0xA670] =	vst v15  }
0x8c: {  	v53 =	vadd.s32 $0x1B90, v2;
	v8 =	vld.idx.msk [tilespmem:v48+s7+$0x0], $0xffff  }
0x8d: {  	v54 =	vadd.s32 $0x1B90, v1;
	v9 =	vld.idx.msk [tilespmem:v49+s7+$0x0], $0xffff  }
0x8e: {  	v55 =	vadd.s32 $0x1B90, v0;
	v10 =	vld.idx.msk [tilespmem:v50+s7+$0x0], $0xffff  }
0x8f: {  	v11 =	vld.idx.msk [tilespmem:v51+s7+$0x0], $0xffff  }
0x90: {  	v12 =	vld.idx.msk [tilespmem:v52+s7+$0x0], $0xffff  }
0x91: {  	v13 =	vld.idx.msk [tilespmem:v53+s7+$0x0], $0xffff  }
0x92: {  	v14 =	vld.idx.msk [tilespmem:v54+s7+$0x0], $0xffff  }
0x93: {  	v15 =	vld.idx.msk [tilespmem:v55+s7+$0x0], $0xffff;
	[tilespmem:s31+$0xA680] =	vst v8  }
0x94: {  	[tilespmem:s31+$0xA690] =	vst v9  }
0x95: {  	[tilespmem:s31+$0xA6A0] =	vst v10  }
0x96: {  	v56 =	vadd.s32 $0x1F80, v7;
	[tilespmem:s31+$0xA6B0] =	vst v11  }
0x97: {  	v57 =	vadd.s32 $0x1F80, v6;
	[tilespmem:s31+$0xA6C0] =	vst v12  }
0x98: {  	v58 =	vadd.s32 $0x1F80, v5;
	[tilespmem:s31+$0xA6D0] =	vst v13  }
0x99: {  	v59 =	vadd.s32 $0x1F80, v4;
	[tilespmem:s31+$0xA6E0] =	vst v14  }
0x9a: {  	v60 =	vadd.s32 $0x1F80, v3;
	[tilespmem:s31+$0xA6F0] =	vst v15  }
0x9b: {  	v61 =	vadd.s32 $0x1F80, v2;
	v8 =	vld.idx.msk [tilespmem:v56+s7+$0x0], $0xffff  }
0x9c: {  	v62 =	vadd.s32 $0x1F80, v1;
	v9 =	vld.idx.msk [tilespmem:v57+s7+$0x0], $0xffff  }
0x9d: {  	v63 =	vadd.s32 $0x1F80, v0;
	v10 =	vld.idx.msk [tilespmem:v58+s7+$0x0], $0xffff  }
0x9e: {  	v11 =	vld.idx.msk [tilespmem:v59+s7+$0x0], $0xffff  }
0x9f: {  	v12 =	vld.idx.msk [tilespmem:v60+s7+$0x0], $0xffff  }
0xa0: {  	v13 =	vld.idx.msk [tilespmem:v61+s7+$0x0], $0xffff  }
0xa1: {  	v14 =	vld.idx.msk [tilespmem:v62+s7+$0x0], $0xffff  }
0xa2: {  	v15 =	vld.idx.msk [tilespmem:v63+s7+$0x0], $0xffff;
	[tilespmem:s31+$0xA700] =	vst v8  }
0xa3: {  	[tilespmem:s31+$0xA710] =	vst v9  }
0xa4: {  	[tilespmem:s31+$0xA720] =	vst v10  }
0xa5: {  	v16 =	vadd.s32 $0x2370, v7;
	[tilespmem:s31+$0xA730] =	vst v11  }
0xa6: {  	v17 =	vadd.s32 $0x2370, v6;
	[tilespmem:s31+$0xA740] =	vst v12  }
0xa7: {  	v18 =	vadd.s32 $0x2370, v5;
	[tilespmem:s31+$0xA750] =	vst v13  }
0xa8: {  	v19 =	vadd.s32 $0x2370, v4;
	[tilespmem:s31+$0xA760] =	vst v14  }
0xa9: {  	v20 =	vadd.s32 $0x2370, v3;
	[tilespmem:s31+$0xA770] =	vst v15  }
0xaa: {  	v21 =	vadd.s32 $0x2370, v2;
	v8 =	vld.idx.msk [tilespmem:v16+s7+$0x0], $0xffff  }
0xab: {  	v22 =	vadd.s32 $0x2370, v1;
	v9 =	vld.idx.msk [tilespmem:v17+s7+$0x0], $0xffff  }
0xac: {  	v23 =	vadd.s32 $0x2370, v0;
	v10 =	vld.idx.msk [tilespmem:v18+s7+$0x0], $0xffff  }
0xad: {  	v11 =	vld.idx.msk [tilespmem:v19+s7+$0x0], $0xffff  }
0xae: {  	v12 =	vld.idx.msk [tilespmem:v20+s7+$0x0], $0xffff  }
0xaf: {  	v13 =	vld.idx.msk [tilespmem:v21+s7+$0x0], $0xffff  }
0xb0: {  	v14 =	vld.idx.msk [tilespmem:v22+s7+$0x0], $0xffff  }
0xb1: {  	v15 =	vld.idx.msk [tilespmem:v23+s7+$0x0], $0xffff;
	[tilespmem:s31+$0xA780] =	vst v8  }
0xb2: {  	[tilespmem:s31+$0xA790] =	vst v9  }
0xb3: {  	[tilespmem:s31+$0xA7A0] =	vst v10  }
0xb4: {  	v24 =	vadd.s32 $0x2760, v7;
	[tilespmem:s31+$0xA7B0] =	vst v11  }
0xb5: {  	v25 =	vadd.s32 $0x2760, v6;
	[tilespmem:s31+$0xA7C0] =	vst v12  }
0xb6: {  	v26 =	vadd.s32 $0x2760, v5;
	[tilespmem:s31+$0xA7D0] =	vst v13  }
0xb7: {  	v27 =	vadd.s32 $0x2760, v4;
	[tilespmem:s31+$0xA7E0] =	vst v14  }
0xb8: {  	v28 =	vadd.s32 $0x2760, v3;
	[tilespmem:s31+$0xA7F0] =	vst v15  }
0xb9: {  	v29 =	vadd.s32 $0x2760, v2;
	v8 =	vld.idx.msk [tilespmem:v24+s7+$0x0], $0xffff  }
0xba: {  	v30 =	vadd.s32 $0x2760, v1;
	v9 =	vld.idx.msk [tilespmem:v25+s7+$0x0], $0xffff  }
0xbb: {  	v31 =	vadd.s32 $0x2760, v0;
	v10 =	vld.idx.msk [tilespmem:v26+s7+$0x0], $0xffff  }
0xbc: {  	v11 =	vld.idx.msk [tilespmem:v27+s7+$0x0], $0xffff  }
0xbd: {  	v12 =	vld.idx.msk [tilespmem:v28+s7+$0x0], $0xffff  }
0xbe: {  	v13 =	vld.idx.msk [tilespmem:v29+s7+$0x0], $0xffff  }
0xbf: {  	v14 =	vld.idx.msk [tilespmem:v30+s7+$0x0], $0xffff  }
0xc0: {  	v15 =	vld.idx.msk [tilespmem:v31+s7+$0x0], $0xffff;
	[tilespmem:s31+$0xA800] =	vst v8  }
0xc1: {  	[tilespmem:s31+$0xA810] =	vst v9  }
0xc2: {  	[tilespmem:s31+$0xA820] =	vst v10  }
0xc3: {  	v32 =	vadd.s32 $0x2B50, v7;
	[tilespmem:s31+$0xA830] =	vst v11  }
0xc4: {  	v33 =	vadd.s32 $0x2B50, v6;
	[tilespmem:s31+$0xA840] =	vst v12  }
0xc5: {  	v34 =	vadd.s32 $0x2B50, v5;
	[tilespmem:s31+$0xA850] =	vst v13  }
0xc6: {  	v35 =	vadd.s32 $0x2B50, v4;
	[tilespmem:s31+$0xA860] =	vst v14  }
0xc7: {  	v36 =	vadd.s32 $0x2B50, v3;
	[tilespmem:s31+$0xA870] =	vst v15  }
0xc8: {  	v37 =	vadd.s32 $0x2B50, v2;
	v8 =	vld.idx.msk [tilespmem:v32+s7+$0x0], $0xffff  }
0xc9: {  	v38 =	vadd.s32 $0x2B50, v1;
	v9 =	vld.idx.msk [tilespmem:v33+s7+$0x0], $0xffff  }
0xca: {  	v39 =	vadd.s32 $0x2B50, v0;
	v10 =	vld.idx.msk [tilespmem:v34+s7+$0x0], $0xffff  }
0xcb: {  	v11 =	vld.idx.msk [tilespmem:v35+s7+$0x0], $0xffff  }
0xcc: {  	v12 =	vld.idx.msk [tilespmem:v36+s7+$0x0], $0xffff  }
0xcd: {  	v13 =	vld.idx.msk [tilespmem:v37+s7+$0x0], $0xffff  }
0xce: {  	v14 =	vld.idx.msk [tilespmem:v38+s7+$0x0], $0xffff  }
0xcf: {  	v15 =	vld.idx.msk [tilespmem:v39+s7+$0x0], $0xffff;
	[tilespmem:s31+$0xA880] =	vst v8  }
0xd0: {  	[tilespmem:s31+$0xA890] =	vst v9  }
0xd1: {  	[tilespmem:s31+$0xA8A0] =	vst v10  }
0xd2: {  	v40 =	vadd.s32 $0x2F40, v7;
	[tilespmem:s31+$0xA8B0] =	vst v11  }
0xd3: {  	v41 =	vadd.s32 $0x2F40, v6;
	[tilespmem:s31+$0xA8C0] =	vst v12  }
0xd4: {  	v42 =	vadd.s32 $0x2F40, v5;
	[tilespmem:s31+$0xA8D0] =	vst v13  }
0xd5: {  	v43 =	vadd.s32 $0x2F40, v4;
	[tilespmem:s31+$0xA8E0] =	vst v14  }
0xd6: {  	v44 =	vadd.s32 $0x2F40, v3;
	[tilespmem:s31+$0xA8F0] =	vst v15  }
0xd7: {  	v45 =	vadd.s32 $0x2F40, v2;
	v8 =	vld.idx.msk [tilespmem:v40+s7+$0x0], $0xffff  }
0xd8: {  	v46 =	vadd.s32 $0x2F40, v1;
	v9 =	vld.idx.msk [tilespmem:v41+s7+$0x0], $0xffff  }
0xd9: {  	v47 =	vadd.s32 $0x2F40, v0;
	v10 =	vld.idx.msk [tilespmem:v42+s7+$0x0], $0xffff  }
0xda: {  	v11 =	vld.idx.msk [tilespmem:v43+s7+$0x0], $0xffff  }
0xdb: {  	v12 =	vld.idx.msk [tilespmem:v44+s7+$0x0], $0xffff  }
0xdc: {  	v13 =	vld.idx.msk [tilespmem:v45+s7+$0x0], $0xffff  }
0xdd: {  	v14 =	vld.idx.msk [tilespmem:v46+s7+$0x0], $0xffff  }
0xde: {  	v15 =	vld.idx.msk [tilespmem:v47+s7+$0x0], $0xffff;
	[tilespmem:s31+$0xA900] =	vst v8  }
0xdf: {  	[tilespmem:s31+$0xA910] =	vst v9  }
0xe0: {  	[tilespmem:s31+$0xA920] =	vst v10  }
0xe1: {  	v48 =	vadd.s32 $0x3330, v7;
	[tilespmem:s31+$0xA930] =	vst v11  }
0xe2: {  	v49 =	vadd.s32 $0x3330, v6;
	[tilespmem:s31+$0xA940] =	vst v12  }
0xe3: {  	v50 =	vadd.s32 $0x3330, v5;
	[tilespmem:s31+$0xA950] =	vst v13  }
0xe4: {  	v51 =	vadd.s32 $0x3330, v4;
	[tilespmem:s31+$0xA960] =	vst v14  }
0xe5: {  	v52 =	vadd.s32 $0x3330, v3;
	[tilespmem:s31+$0xA970] =	vst v15  }
0xe6: {  	v53 =	vadd.s32 $0x3330, v2;
	v8 =	vld.idx.msk [tilespmem:v48+s7+$0x0], $0xffff  }
0xe7: {  	v54 =	vadd.s32 $0x3330, v1;
	v9 =	vld.idx.msk [tilespmem:v49+s7+$0x0], $0xffff  }
0xe8: {  	v55 =	vadd.s32 $0x3330, v0;
	v10 =	vld.idx.msk [tilespmem:v50+s7+$0x0], $0xffff  }
0xe9: {  	v11 =	vld.idx.msk [tilespmem:v51+s7+$0x0], $0xffff  }
0xea: {  	v12 =	vld.idx.msk [tilespmem:v52+s7+$0x0], $0xffff  }
0xeb: {  	v13 =	vld.idx.msk [tilespmem:v53+s7+$0x0], $0xffff  }
0xec: {  	v14 =	vld.idx.msk [tilespmem:v54+s7+$0x0], $0xffff  }
0xed: {  	v15 =	vld.idx.msk [tilespmem:v55+s7+$0x0], $0xffff;
	[tilespmem:s31+$0xA980] =	vst v8  }
0xee: {  	[tilespmem:s31+$0xA990] =	vst v9  }
0xef: {  	[tilespmem:s31+$0xA9A0] =	vst v10  }
0xf0: {  	v56 =	vadd.s32 $0x3720, v7;
	[tilespmem:s31+$0xA9B0] =	vst v11  }
0xf1: {  	v57 =	vadd.s32 $0x3720, v6;
	[tilespmem:s31+$0xA9C0] =	vst v12  }
0xf2: {  	v58 =	vadd.s32 $0x3720, v5;
	[tilespmem:s31+$0xA9D0] =	vst v13  }
0xf3: {  	v59 =	vadd.s32 $0x3720, v4;
	[tilespmem:s31+$0xA9E0] =	vst v14  }
0xf4: {  	v60 =	vadd.s32 $0x3720, v3;
	[tilespmem:s31+$0xA9F0] =	vst v15  }
0xf5: {  	v61 =	vadd.s32 $0x3720, v2;
	v8 =	vld.idx.msk [tilespmem:v56+s7+$0x0], $0xffff  }
0xf6: {  	v62 =	vadd.s32 $0x3720, v1;
	v9 =	vld.idx.msk [tilespmem:v57+s7+$0x0], $0xffff  }
0xf7: {  	v63 =	vadd.s32 $0x3720, v0;
	v10 =	vld.idx.msk [tilespmem:v58+s7+$0x0], $0xffff  }
0xf8: {  	v11 =	vld.idx.msk [tilespmem:v59+s7+$0x0], $0xffff  }
0xf9: {  	v12 =	vld.idx.msk [tilespmem:v60+s7+$0x0], $0xffff  }
0xfa: {  	v13 =	vld.idx.msk [tilespmem:v61+s7+$0x0], $0xffff  }
0xfb: {  	v14 =	vld.idx.msk [tilespmem:v62+s7+$0x0], $0xffff  }
0xfc: {  	v15 =	vld.idx.msk [tilespmem:v63+s7+$0x0], $0xffff;
	[tilespmem:s31+$0xAA00] =	vst v8  }
0xfd: {  	[tilespmem:s31+$0xAA10] =	vst v9  }
0xfe: {  	[tilespmem:s31+$0xAA20] =	vst v10  }
0xff: {  	v7 =	vadd.s32 $0x3B10, v7;
	[tilespmem:s31+$0xAA30] =	vst v11  }
0x100: {  	v6 =	vadd.s32 $0x3B10, v6;
	[tilespmem:s31+$0xAA40] =	vst v12  }
0x101: {  	v5 =	vadd.s32 $0x3B10, v5;
	[tilespmem:s31+$0xAA50] =	vst v13  }
0x102: {  	v4 =	vadd.s32 $0x3B10, v4;
	[tilespmem:s31+$0xAA60] =	vst v14  }
0x103: {  	v3 =	vadd.s32 $0x3B10, v3;
	[tilespmem:s31+$0xAA70] =	vst v15  }
0x104: {  	v2 =	vadd.s32 $0x3B10, v2;
	v7 =	vld.idx.msk [tilespmem:v7+s7+$0x0], $0xffff  }
0x105: {  	v1 =	vadd.s32 $0x3B10, v1;
	v6 =	vld.idx.msk [tilespmem:v6+s7+$0x0], $0xffff  }
0x106: {  	v0 =	vadd.s32 $0x3B10, v0;
	v5 =	vld.idx.msk [tilespmem:v5+s7+$0x0], $0xffff  }
0x107: {  	v4 =	vld.idx.msk [tilespmem:v4+s7+$0x0], $0xffff  }
0x108: {  	v3 =	vld.idx.msk [tilespmem:v3+s7+$0x0], $0xffff  }
0x109: {  	v2 =	vld.idx.msk [tilespmem:v2+s7+$0x0], $0xffff  }
0x10a: {  	v1 =	vld.idx.msk [tilespmem:v1+s7+$0x0], $0xffff  }
0x10b: {  	v0 =	vld.idx.msk [tilespmem:v0+s7+$0x0], $0xffff;
	[tilespmem:s31+$0xAA80] =	vst v7  }
0x10c: {  	[tilespmem:s31+$0xAA90] =	vst v6  }
0x10d: {  	[tilespmem:s31+$0xAAA0] =	vst v5  }
0x10e: {  	s22 =	sadd.s32 $0x1, s22;
	[tilespmem:s31+$0xAAB0] =	vst v4  }
0x10f: {  	p0 =	sne.s32 s22, $0xC8;
	[tilespmem:s31+$0xAAC0] =	vst v3  }
.Ltmp0:
0x110: {  	[tilespmem:s31+$0xAAD0] =	vst v2;
	(pc) =	sbr.rel @p0 .LBB2_2-.Ltmp0, $4  }
0x111: {  	[tilespmem:s31+$0xAAE0] =	vst v1  }
0x112: {  	s23 =	sadd.s32 $0x1, s23;
	s25 =	sadd.s32 $0xA300, s31;
	[tilespmem:s31+$0xAAF0] =	vst v0  }
0x113: {  	[hbm4b:s21+s9] =	stream.strided.scatter [tilespmem:s25], [sflag:s23], $0x800, s10, s9, $0x38;
	[tilespmem:$0xE300] =	vst v63  }
0x114: {  	s20 =	sadd.s32 $0x80, s20;
	s21 =	sadd.s32 $0x2000, s21  }
0x115: {  	_ =	swait.ge [sflag:s11], $0x800  }
0x116: {  	[sflag:s11] =	ssyncset.done $0x0  }
0x117: {  	[sflag:s11] =	ssyncadd.s32 $0xFFFFF800  }
0x118: {  	_ =	swait.ge [sflag:s12], $0x800  }
0x119: {  	[sflag:s12] =	ssyncset.done $0x0  }
0x11a: {  	[sflag:s12] =	ssyncadd.s32 $0xFFFFF800  }
0x11b: {  	_ =	swait.ge [sflag:s13], $0x800  }
0x11c: {  	[sflag:s13] =	ssyncset.done $0x0  }
0x11d: {  	[sflag:s13] =	ssyncadd.s32 $0xFFFFF800  }
0x11e: {  	_ =	swait.ge [sflag:s14], $0x800  }
0x11f: {  	[sflag:s14] =	ssyncset.done $0x0  }
0x120: {  	[sflag:s14] =	ssyncadd.s32 $0xFFFFF800  }
0x121: {  	_ =	swait.ge [sflag:s15], $0x800  }
0x122: {  	[sflag:s15] =	ssyncset.done $0x0  }
0x123: {  	[sflag:s15] =	ssyncadd.s32 $0xFFFFF800  }
0x124: {  	_ =	swait.ge [sflag:s16], $0x800  }
0x125: {  	[sflag:s16] =	ssyncset.done $0x0  }
0x126: {  	s19 =	sadd.s32 $0x1, s19;
	[sflag:s16] =	ssyncadd.s32 $0xFFFFF800  }
0x127: {  	p0 =	sne.s32 s19, s5;
	_ =	swait.ge [sflag:s17], $0x800  }
.Ltmp1:
0x128: {  	[sflag:s17] =	ssyncset.done $0x0;
	(pc) =	sbr.rel @p0 .LBB2_1-.Ltmp1, $4  }
0x129: {  	[sflag:s17] =	ssyncadd.s32 $0xFFFFF800  }
0x12a: {  	_ =	swait.ge [sflag:s18], $0x800  }
0x12b: {  	[sflag:s18] =	ssyncset.done $0x0  }
0x12c: {  	[sflag:s18] =	ssyncadd.s32 $0xFFFFF800  }
0x12d: {  	_ =	sfence.sel $0x180000  }
0x12e: {  	[bflag:$0x0] =	sbarrier.arrive $0xFFFF  }
0x12f: {  	p0 =	sne.s32 s1, $0x0;
	_ =	strace $0x90000047  }
0x130: {  	s0 =	sadd.s32 @!p0 $0x100000, s0;
	[bflag:$0x2] =	sbarrier.arrive $0xFFFF  }
0x131: {  	[sflag:s0] =	ssyncadd.tile.s32 @!p0 $0x1;
	_ =	shalt  }
.Lfunc_end2:
_tile_overlayer_lowered:
.L_overlay_start_2:
0x132: {  	(tag) =	ssettag $0x2  }
0x133: {  	s0 =	rddreg [dreg:$0x0];
	s2 =	stileid.u32  }
0x134: {  	s1 =	rddreg [dreg:$0x1];
	p0 =	sne.s32 s2, $0x0  }
0x135: {  	s3 =	rddreg [dreg:$0x2];
	[bflag:$0x3] =	sbarrier.arrive $0xFFFF;
	s2 =	simm.s32 @!p0 $0x1C09  }
0x136: {  	[timem:s3], [sflag:s2] =	dma.local @!p0 [hbm:s0], s1  }
0x137: {  	s0 =	simm.s32 @!p0 $0x9  }
0x138: {  	_ =	swait.ge @!p0 [sflag:s0], s1  }
0x139: {  	s1 =	ssub.s32 @!p0 $0x0, s1;
	[sflag:s0] =	ssyncset.done @!p0 $0x0  }
0x13a: {  	[sflag:s0] =	ssyncadd.s32 @!p0 s1  }
0x13b: {  	[bflag:$0x3] =	sbarrier.arrive $0xFFFF  }
0x13c: {  	_ =	shalt  }

</sc_bundles>
